<compile_context>
chip_gen: v7x
topology: tpu7x:2x2x1
jax: 0.10.2.dev20260603
libtpu: 0.0.44.dev20260713+nightly
codegen_flags: <defaults>
</compile_context>

<pallas_src>
import functools

import jax
import jax.numpy as jnp
from jax import lax
from jax.experimental import pallas as pl
from jax.experimental.pallas import tpu as pltpu
from jax.experimental.pallas import tpu_sc as plsc

_N_CLASS = 1000
_PAD = 1024
_D = 128
_N = 65536
_DECAY = 0.3

_NC = 2
_NS = 16
_NW = _NC * _NS
_ROWS_PER_TILE = _N // _NW
_CHUNK = 128
_NCHUNK = _ROWS_PER_TILE // _CHUNK
_L = 16


_HW = _PAD * _L


def _sc_segment_sums(s_feature, t_feature, ys2d, yt2d):
    mesh = plsc.VectorSubcoreMesh(core_axis_name="c", subcore_axis_name="s")

    @functools.partial(
        pl.kernel,
        out_type=(
            jax.ShapeDtypeStruct((_NC, _PAD, _D), jnp.float32),
            jax.ShapeDtypeStruct((_NC, _PAD, _D), jnp.float32),
            jax.ShapeDtypeStruct((_NC, _CHUNK, _CHUNK), jnp.float32),
            jax.ShapeDtypeStruct((_NC, _CHUNK, _CHUNK), jnp.float32),
        ),
        mesh=mesh,
        compiler_params=pltpu.CompilerParams(needs_layout_passes=False),
        scratch_types=[
            pltpu.VMEM((_NCHUNK, _CHUNK), jnp.int32),
            pltpu.VMEM((_NCHUNK, _CHUNK), jnp.int32),
            pltpu.VMEM((_CHUNK, _D), jnp.float32),
            pltpu.VMEM((_CHUNK, _D), jnp.float32),
            pltpu.VMEM((_CHUNK, _D), jnp.float32),
            pltpu.VMEM((_CHUNK, _D), jnp.float32),
            pltpu.VMEM((_CHUNK, _CHUNK), jnp.float32),
            pltpu.VMEM((_CHUNK, _CHUNK), jnp.float32),
            pltpu.VMEM((1, _CHUNK), jnp.int32),
            pltpu.VMEM_SHARED((_PAD, _D), jnp.float32),
            pltpu.VMEM_SHARED((_PAD, _D), jnp.float32),
            pltpu.VMEM_SHARED((_CHUNK, _CHUNK), jnp.float32),
            pltpu.VMEM_SHARED((_CHUNK, _CHUNK), jnp.float32),
            pltpu.SemaphoreType.DMA,
            pltpu.SemaphoreType.DMA,
            pltpu.SemaphoreType.DMA,
            pltpu.SemaphoreType.DMA,
            pltpu.SemaphoreType.DMA,
            pltpu.SemaphoreType.DMA,
            pltpu.SemaphoreType.DMA,
            pltpu.SemaphoreType.DMA,
        ],
    )
    def k(s_f, t_f, ys, yt,
          s_out, t_out, sc_out, tc_out,
          idx_s, idx_t, sb0, sb1, tb0, tb1, s_hist, t_hist, idq,
          s_facc, t_facc, s_cacc, t_cacc,
          gs0, gs1, gt0, gt1, ss0, ss1, st0, st1):
        cid = lax.axis_index("c")
        sid = lax.axis_index("s")
        wid = cid * _NS + sid
        base = wid * _ROWS_PER_TILE

        pltpu.async_copy(s_f.at[pl.ds(base, _CHUNK)], sb0, gs0)
        pltpu.async_copy(t_f.at[pl.ds(base, _CHUNK)], tb0, gt0)
        pltpu.async_copy(s_f.at[pl.ds(base + _CHUNK, _CHUNK)], sb1, gs1)
        pltpu.async_copy(t_f.at[pl.ds(base + _CHUNK, _CHUNK)], tb1, gt1)

        lane = lax.iota(jnp.int32, _L)
        zv = jnp.zeros((_L,), jnp.float32)

        def zbody(r, carry):
            for c in range(_CHUNK // _L):
                s_hist[r, pl.ds(c * _L, _L)] = zv
                t_hist[r, pl.ds(c * _L, _L)] = zv
            return carry

        lax.fori_loop(0, _CHUNK, zbody, 0)
        for c in range(_CHUNK // _L):
            idq[0, pl.ds(c * _L, _L)] = lane + c * _L

        rows = _PAD // _NS
        r0 = sid * rows
        crows = _CHUNK // _NS
        c0 = sid * crows
        pltpu.sync_copy(s_hist.at[pl.ds(0, rows)], s_facc.at[pl.ds(r0, rows)])
        pltpu.sync_copy(s_hist.at[pl.ds(0, rows)], t_facc.at[pl.ds(r0, rows)])
        pltpu.sync_copy(s_hist.at[pl.ds(0, crows)], s_cacc.at[pl.ds(c0, crows)])
        pltpu.sync_copy(s_hist.at[pl.ds(0, crows)], t_cacc.at[pl.ds(c0, crows)])

        pltpu.sync_copy(ys.at[pl.ds(wid * _NCHUNK, _NCHUNK)], idx_s)
        pltpu.sync_copy(yt.at[pl.ds(wid * _NCHUNK, _NCHUNK)], idx_t)
        plsc.subcore_barrier()

        ones_v = jnp.full((_L,), 1.0, jnp.float32)

        def hist_update(hist, idx_ref, j):
            for kk in range(_CHUNK // _L):
                lbl = idx_ref[j, pl.ds(kk * _L, _L)]
                row = lax.shift_right_logical(lbl, 3)
                col = lax.shift_left(jnp.bitwise_and(lbl, 7), 4) + lane
                plsc.addupdate_scatter(hist, [row, col], ones_v)

        bufs = ((sb0, tb0, gs0, gt0, ss0, st0), (sb1, tb1, gs1, gt1, ss1, st1))

        def body(i, carry):
            for p in range(2):
                j = 2 * i + p
                sb, tb, gs, gt, ss, st = bufs[p]
                pltpu.make_async_copy(s_f.at[pl.ds(base, _CHUNK)], sb, gs).wait()
                pltpu.async_copy(sb, s_facc.at[idx_s.at[j]], ss, add=True)
                pltpu.make_async_copy(t_f.at[pl.ds(base, _CHUNK)], tb, gt).wait()
                pltpu.async_copy(tb, t_facc.at[idx_t.at[j]], st, add=True)
                hist_update(s_hist, idx_s, j)
                hist_update(t_hist, idx_t, j)

            @pl.when(i < _NCHUNK // 2 - 1)
            def _():
                for p in range(2):
                    j = 2 * i + 2 + p
                    sb, tb, gs, gt, ss, st = bufs[p]
                    pltpu.make_async_copy(s_f.at[pl.ds(base, _CHUNK)], sb, ss).wait()
                    pltpu.async_copy(s_f.at[pl.ds(base + j * _CHUNK, _CHUNK)], sb, gs)
                    pltpu.make_async_copy(t_f.at[pl.ds(base, _CHUNK)], tb, st).wait()
                    pltpu.async_copy(t_f.at[pl.ds(base + j * _CHUNK, _CHUNK)], tb, gt)

            return carry

        lax.fori_loop(0, _NCHUNK // 2, body, 0)

        pltpu.make_async_copy(s_f.at[pl.ds(base, _CHUNK)], sb0, ss0).wait()
        pltpu.make_async_copy(s_f.at[pl.ds(base, _CHUNK)], sb1, ss1).wait()
        pltpu.make_async_copy(t_f.at[pl.ds(base, _CHUNK)], tb0, st0).wait()
        pltpu.make_async_copy(t_f.at[pl.ds(base, _CHUNK)], tb1, st1).wait()

        pltpu.sync_copy(s_hist, s_cacc.at[idq.at[0]], add=True)
        pltpu.sync_copy(t_hist, t_cacc.at[idq.at[0]], add=True)
        plsc.subcore_barrier()

        pltpu.sync_copy(s_facc.at[pl.ds(r0, rows)], s_out.at[cid, pl.ds(r0, rows)])
        pltpu.sync_copy(t_facc.at[pl.ds(r0, rows)], t_out.at[cid, pl.ds(r0, rows)])
        pltpu.sync_copy(s_cacc.at[pl.ds(c0, crows)], sc_out.at[cid, pl.ds(c0, crows)])
        pltpu.sync_copy(t_cacc.at[pl.ds(c0, crows)], tc_out.at[cid, pl.ds(c0, crows)])

    return k(s_feature, t_feature, ys2d, yt2d)


def _unpack_counts(hist_ref):
    h = hist_ref[0] + hist_ref[1]
    cnt = jnp.sum(h.reshape(_CHUNK, 8, _L), axis=-1)
    return cnt.reshape(_PAD, 1)


def _tc_finalize(s_part, t_part, s_cnt, t_cnt):
    def body(sp_ref, tp_ref, sc_ref, tc_ref, o_ref):
        ssum = sp_ref[0] + sp_ref[1]
        tsum = tp_ref[0] + tp_ref[1]
        scnt = jnp.maximum(_unpack_counts(sc_ref), 1.0)
        tcnt = jnp.maximum(_unpack_counts(tc_ref), 1.0)
        diff = ssum / scnt - tsum / tcnt
        scale = (_DECAY * _DECAY) / (_N_CLASS * _D)
        o_ref[0, 0] = jnp.sum(diff * diff) * scale

    out = pl.pallas_call(
        body,
        out_shape=jax.ShapeDtypeStruct((1, 1), jnp.float32),
        out_specs=pl.BlockSpec(memory_space=pltpu.SMEM),
    )(s_part, t_part, s_cnt, t_cnt)
    return out[0, 0]


def kernel(s_logits, t_logits, s_feature, t_feature, y_s, y_t):
    del s_logits, t_logits
    ys2d = y_s.astype(jnp.int32).reshape(_N // _CHUNK, _CHUNK)
    yt2d = y_t.astype(jnp.int32).reshape(_N // _CHUNK, _CHUNK)
    s_part, t_part, s_cnt, t_cnt = _sc_segment_sums(
        s_feature, t_feature, ys2d, yt2d)
    return _tc_finalize(s_part, t_part, s_cnt, t_cnt)

# --- scband reference (transcript-rebuilt; emitter-appended) ---
"""Pipeline reference for scband-mstn-48455821033585 (READ-ONLY COPY).

The authoritative reference and input builder live on the scoring server;
editing this copy changes nothing except your own understanding.
"""

import jax, jax.numpy as jnp
import numpy as np

N_CLASS = 1000
D = 128
N = 65536
DECAY = 0.3


def setup_inputs(seed: int = 0) -> dict:
    key = jax.random.key(seed)
    k1, k2, k3, k4, k5, k6 = jax.random.split(key, 6)
    s_logits = jax.random.normal(k1, (N, 1), dtype=jnp.float32)
    t_logits = jax.random.normal(k2, (N, 1), dtype=jnp.float32)
    s_feature = jax.random.normal(k3, (N, D), dtype=jnp.float32)
    t_feature = jax.random.normal(k4, (N, D), dtype=jnp.float32)
    y_s = jax.random.randint(k5, (N,), 0, N_CLASS, dtype=jnp.int64 if jax.config.jax_enable_x64 else jnp.int32)
    y_t = jax.random.randint(k6, (N,), 0, N_CLASS, dtype=jnp.int64 if jax.config.jax_enable_x64 else jnp.int32)
    return {"s_logits": s_logits, "t_logits": t_logits, "s_feature": s_feature, "t_feature": t_feature, "y_s": y_s, "y_t": y_t}


def reference(s_logits, t_logits, s_feature, t_feature, y_s, y_t):
    # Faithful JAX translation of MSTN.adloss with euclidean_distance=False.
    n, d = s_feature.shape
    # per-class counts via scatter-add of ones
    ones_s = jnp.ones(y_s.shape, dtype=jnp.float32)
    ones_t = jnp.ones(y_t.shape, dtype=jnp.float32)
    s_n_classes = jnp.zeros((N_CLASS,), dtype=jnp.float32).at[y_s].add(ones_s)
    t_n_classes = jnp.zeros((N_CLASS,), dtype=jnp.float32).at[y_t].add(ones_t)
    s_n_classes = jnp.maximum(s_n_classes, 1.0)
    t_n_classes = jnp.maximum(t_n_classes, 1.0)
    # per-class feature sums via scatter-add (segment reduce)
    s_sum_feature = jnp.zeros((N_CLASS, d), dtype=jnp.float32).at[y_s].add(s_feature)
    t_sum_feature = jnp.zeros((N_CLASS, d), dtype=jnp.float32).at[y_t].add(t_feature)
    current_s_centroid = s_sum_feature / s_n_classes[:, None]
    current_t_centroid = t_sum_feature / t_n_classes[:, None]
    # EMA update; stored centroids are zero-initialized buffers
    s_centroid0 = jnp.zeros((N_CLASS, d), dtype=jnp.float32)
    t_centroid0 = jnp.zeros((N_CLASS, d), dtype=jnp.float32)
    s_centroid = (1.0 - DECAY) * s_centroid0 + DECAY * current_s_centroid
    t_centroid = (1.0 - DECAY) * t_centroid0 + DECAY * current_t_centroid
    semantic_loss = jnp.mean((s_centroid - t_centroid) ** 2)
    return semantic_loss

if __name__ == "__main__":
    import jax
    _d = setup_inputs()
    print(jax.jit(kernel)(*tuple(_d.values())))

</pallas_src>

<mosaic_0001>
#map = affine_map<(d0, d1) -> (0, 0)>
#map1 = affine_map<(d0, d1) -> (0, 0, 0)>
module attributes {stable_mosaic.version = 14 : i64} {
  func.func @k(%arg0: i32, %arg1: i32, %arg2: memref<65536x128xf32, #tpu.memory_space<hbm>>, %arg3: memref<65536x128xf32, #tpu.memory_space<hbm>>, %arg4: memref<512x128xi32, #tpu.memory_space<hbm>>, %arg5: memref<512x128xi32, #tpu.memory_space<hbm>>, %arg6: memref<2x1024x128xf32, #tpu.memory_space<hbm>>, %arg7: memref<2x1024x128xf32, #tpu.memory_space<hbm>>, %arg8: memref<2x128x128xf32, #tpu.memory_space<hbm>>, %arg9: memref<2x128x128xf32, #tpu.memory_space<hbm>>, %arg10: memref<16x128xi32, #tpu.memory_space<vmem>>, %arg11: memref<16x128xi32, #tpu.memory_space<vmem>>, %arg12: memref<128x128xf32, #tpu.memory_space<vmem>>, %arg13: memref<128x128xf32, #tpu.memory_space<vmem>>, %arg14: memref<128x128xf32, #tpu.memory_space<vmem>>, %arg15: memref<128x128xf32, #tpu.memory_space<vmem>>, %arg16: memref<128x128xf32, #tpu.memory_space<vmem>>, %arg17: memref<128x128xf32, #tpu.memory_space<vmem>>, %arg18: memref<1x128xi32, #tpu.memory_space<vmem>>, %arg19: memref<1024x128xf32, #tpu.memory_space<vmem_shared>>, %arg20: memref<1024x128xf32, #tpu.memory_space<vmem_shared>>, %arg21: memref<128x128xf32, #tpu.memory_space<vmem_shared>>, %arg22: memref<128x128xf32, #tpu.memory_space<vmem_shared>>, %arg23: memref<!tpu.dma_semaphore, #tpu.memory_space<semaphore_mem>>, %arg24: memref<!tpu.dma_semaphore, #tpu.memory_space<semaphore_mem>>, %arg25: memref<!tpu.dma_semaphore, #tpu.memory_space<semaphore_mem>>, %arg26: memref<!tpu.dma_semaphore, #tpu.memory_space<semaphore_mem>>, %arg27: memref<!tpu.dma_semaphore, #tpu.memory_space<semaphore_mem>>, %arg28: memref<!tpu.dma_semaphore, #tpu.memory_space<semaphore_mem>>, %arg29: memref<!tpu.dma_semaphore, #tpu.memory_space<semaphore_mem>>, %arg30: memref<!tpu.dma_semaphore, #tpu.memory_space<semaphore_mem>>) attributes {dimension_semantics = [#tpu.dimension_semantics<core_parallel>, #tpu.dimension_semantics<subcore_parallel>], iteration_bounds = array<i64: 2, 16>, scalar_prefetch = 0 : i64, scratch_operands = 21 : i64, tpu.core_type = #tpu.core_type<sc_vector_subcore>, window_params = [{transform_indices = #map}, {transform_indices = #map}, {transform_indices = #map}, {transform_indices = #map}, {transform_indices = #map1}, {transform_indices = #map1}, {transform_indices = #map1}, {transform_indices = #map1}]} {
    %mul3A = arith.constant 16 : i32
    %mul3A_0 = arith.muli %arg0, %mul3A : i32
    %add3A = arith.addi %mul3A_0, %arg1 : i32
    %mul3A_1 = arith.constant 2048 : i32
    %mul3A_2 = arith.muli %add3A, %mul3A_1 : i32
    %dma_start3A = arith.constant 0 : i32
    %dma_start3A_3 = tpu.memref_slice %arg2[%mul3A_2, %dma_start3A] : memref<65536x128xf32, #tpu.memory_space<hbm>> -> memref<128x128xf32, #tpu.memory_space<hbm>>
    %dma_start3A_4 = arith.constant 0 : i32
    %dma_start3A_5 = tpu.memref_slice %arg2[%mul3A_2, %dma_start3A_4] : memref<65536x128xf32, #tpu.memory_space<hbm>> -> memref<128x128xf32, #tpu.memory_space<hbm>>
    tpu.enqueue_dma source(%dma_start3A_5 : memref<128x128xf32, #tpu.memory_space<hbm>>) target(%arg12 : memref<128x128xf32, #tpu.memory_space<vmem>>) target_semaphore(%arg23 : memref<!tpu.dma_semaphore, #tpu.memory_space<semaphore_mem>>)
    %dma_start3A_6 = arith.constant 0 : i32
    %dma_start3A_7 = tpu.memref_slice %arg3[%mul3A_2, %dma_start3A_6] : memref<65536x128xf32, #tpu.memory_space<hbm>> -> memref<128x128xf32, #tpu.memory_space<hbm>>
    %dma_start3A_8 = arith.constant 0 : i32
    %dma_start3A_9 = tpu.memref_slice %arg3[%mul3A_2, %dma_start3A_8] : memref<65536x128xf32, #tpu.memory_space<hbm>> -> memref<128x128xf32, #tpu.memory_space<hbm>>
    tpu.enqueue_dma source(%dma_start3A_9 : memref<128x128xf32, #tpu.memory_space<hbm>>) target(%arg14 : memref<128x128xf32, #tpu.memory_space<vmem>>) target_semaphore(%arg25 : memref<!tpu.dma_semaphore, #tpu.memory_space<semaphore_mem>>)
    %add3A_10 = arith.constant 128 : i32
    %add3A_11 = arith.addi %mul3A_2, %add3A_10 : i32
    %dma_start3A_12 = arith.constant 0 : i32
    %dma_start3A_13 = tpu.memref_slice %arg2[%add3A_11, %dma_start3A_12] : memref<65536x128xf32, #tpu.memory_space<hbm>> -> memref<128x128xf32, #tpu.memory_space<hbm>>
    %dma_start3A_14 = arith.constant 0 : i32
    %dma_start3A_15 = tpu.memref_slice %arg2[%add3A_11, %dma_start3A_14] : memref<65536x128xf32, #tpu.memory_space<hbm>> -> memref<128x128xf32, #tpu.memory_space<hbm>>
    tpu.enqueue_dma source(%dma_start3A_15 : memref<128x128xf32, #tpu.memory_space<hbm>>) target(%arg13 : memref<128x128xf32, #tpu.memory_space<vmem>>) target_semaphore(%arg24 : memref<!tpu.dma_semaphore, #tpu.memory_space<semaphore_mem>>)
    %add3A_16 = arith.constant 128 : i32
    %add3A_17 = arith.addi %mul3A_2, %add3A_16 : i32
    %dma_start3A_18 = arith.constant 0 : i32
    %dma_start3A_19 = tpu.memref_slice %arg3[%add3A_17, %dma_start3A_18] : memref<65536x128xf32, #tpu.memory_space<hbm>> -> memref<128x128xf32, #tpu.memory_space<hbm>>
    %dma_start3A_20 = arith.constant 0 : i32
    %dma_start3A_21 = tpu.memref_slice %arg3[%add3A_17, %dma_start3A_20] : memref<65536x128xf32, #tpu.memory_space<hbm>> -> memref<128x128xf32, #tpu.memory_space<hbm>>
    tpu.enqueue_dma source(%dma_start3A_21 : memref<128x128xf32, #tpu.memory_space<hbm>>) target(%arg15 : memref<128x128xf32, #tpu.memory_space<vmem>>) target_semaphore(%arg26 : memref<!tpu.dma_semaphore, #tpu.memory_space<semaphore_mem>>)
    %iota3A = tpu.iota {dimensions = array<i32: 0>} : vector<16xi32>
    %broadcast_in_dim3A = arith.constant 0.000000e+00 : f32
    %broadcast_in_dim3A_22 = vector.broadcast %broadcast_in_dim3A : f32 to vector<16xf32>
    %scan3A = arith.constant 0 : i32
    %scan3A_23 = arith.constant 0 : i32
    %scan3A_24 = arith.constant 128 : i32
    %scan3A_25 = arith.addi %scan3A_23, %scan3A_24 : i32
    %scan3A_26 = arith.constant 1 : i32
    scf.for %scan3A_116 = %scan3A_23 to %scan3A_25 step %scan3A_26  : i32 {
      %swap3A_117 = arith.index_cast %scan3A_116 : i32 to index
      %swap3A_118 = arith.constant 0 : index
      %swap3A_119 = tpu.vector_load %arg16[%swap3A_117, %swap3A_118] {strides = array<i32>} : memref<128x128xf32, #tpu.memory_space<vmem>>, vector<16xf32>,
      tpu.vector_store %arg16[%swap3A_117, %swap3A_118], %broadcast_in_dim3A_22 {strides = array<i32>} : memref<128x128xf32, #tpu.memory_space<vmem>>, vector<16xf32>,
      %swap3A_120 = arith.index_cast %scan3A_116 : i32 to index
      %swap3A_121 = arith.constant 0 : index
      %swap3A_122 = tpu.vector_load %arg17[%swap3A_120, %swap3A_121] {strides = array<i32>} : memref<128x128xf32, #tpu.memory_space<vmem>>, vector<16xf32>,
      tpu.vector_store %arg17[%swap3A_120, %swap3A_121], %broadcast_in_dim3A_22 {strides = array<i32>} : memref<128x128xf32, #tpu.memory_space<vmem>>, vector<16xf32>,
      %swap3A_123 = arith.index_cast %scan3A_116 : i32 to index
      %swap3A_124 = arith.constant 16 : index
      %swap3A_125 = tpu.vector_load %arg16[%swap3A_123, %swap3A_124] {strides = array<i32>} : memref<128x128xf32, #tpu.memory_space<vmem>>, vector<16xf32>,
      tpu.vector_store %arg16[%swap3A_123, %swap3A_124], %broadcast_in_dim3A_22 {strides = array<i32>} : memref<128x128xf32, #tpu.memory_space<vmem>>, vector<16xf32>,
      %swap3A_126 = arith.index_cast %scan3A_116 : i32 to index
      %swap3A_127 = arith.constant 16 : index
      %swap3A_128 = tpu.vector_load %arg17[%swap3A_126, %swap3A_127] {strides = array<i32>} : memref<128x128xf32, #tpu.memory_space<vmem>>, vector<16xf32>,
      tpu.vector_store %arg17[%swap3A_126, %swap3A_127], %broadcast_in_dim3A_22 {strides = array<i32>} : memref<128x128xf32, #tpu.memory_space<vmem>>, vector<16xf32>,
      %swap3A_129 = arith.index_cast %scan3A_116 : i32 to index
      %swap3A_130 = arith.constant 32 : index
      %swap3A_131 = tpu.vector_load %arg16[%swap3A_129, %swap3A_130] {strides = array<i32>} : memref<128x128xf32, #tpu.memory_space<vmem>>, vector<16xf32>,
      tpu.vector_store %arg16[%swap3A_129, %swap3A_130], %broadcast_in_dim3A_22 {strides = array<i32>} : memref<128x128xf32, #tpu.memory_space<vmem>>, vector<16xf32>,
      %swap3A_132 = arith.index_cast %scan3A_116 : i32 to index
      %swap3A_133 = arith.constant 32 : index
      %swap3A_134 = tpu.vector_load %arg17[%swap3A_132, %swap3A_133] {strides = array<i32>} : memref<128x128xf32, #tpu.memory_space<vmem>>, vector<16xf32>,
      tpu.vector_store %arg17[%swap3A_132, %swap3A_133], %broadcast_in_dim3A_22 {strides = array<i32>} : memref<128x128xf32, #tpu.memory_space<vmem>>, vector<16xf32>,
      %swap3A_135 = arith.index_cast %scan3A_116 : i32 to index
      %swap3A_136 = arith.constant 48 : index
      %swap3A_137 = tpu.vector_load %arg16[%swap3A_135, %swap3A_136] {strides = array<i32>} : memref<128x128xf32, #tpu.memory_space<vmem>>, vector<16xf32>,
      tpu.vector_store %arg16[%swap3A_135, %swap3A_136], %broadcast_in_dim3A_22 {strides = array<i32>} : memref<128x128xf32, #tpu.memory_space<vmem>>, vector<16xf32>,
      %swap3A_138 = arith.index_cast %scan3A_116 : i32 to index
      %swap3A_139 = arith.constant 48 : index
      %swap3A_140 = tpu.vector_load %arg17[%swap3A_138, %swap3A_139] {strides = array<i32>} : memref<128x128xf32, #tpu.memory_space<vmem>>, vector<16xf32>,
      tpu.vector_store %arg17[%swap3A_138, %swap3A_139], %broadcast_in_dim3A_22 {strides = array<i32>} : memref<128x128xf32, #tpu.memory_space<vmem>>, vector<16xf32>,
      %swap3A_141 = arith.index_cast %scan3A_116 : i32 to index
      %swap3A_142 = arith.constant 64 : index
      %swap3A_143 = tpu.vector_load %arg16[%swap3A_141, %swap3A_142] {strides = array<i32>} : memref<128x128xf32, #tpu.memory_space<vmem>>, vector<16xf32>,
      tpu.vector_store %arg16[%swap3A_141, %swap3A_142], %broadcast_in_dim3A_22 {strides = array<i32>} : memref<128x128xf32, #tpu.memory_space<vmem>>, vector<16xf32>,
      %swap3A_144 = arith.index_cast %scan3A_116 : i32 to index
      %swap3A_145 = arith.constant 64 : index
      %swap3A_146 = tpu.vector_load %arg17[%swap3A_144, %swap3A_145] {strides = array<i32>} : memref<128x128xf32, #tpu.memory_space<vmem>>, vector<16xf32>,
      tpu.vector_store %arg17[%swap3A_144, %swap3A_145], %broadcast_in_dim3A_22 {strides = array<i32>} : memref<128x128xf32, #tpu.memory_space<vmem>>, vector<16xf32>,
      %swap3A_147 = arith.index_cast %scan3A_116 : i32 to index
      %swap3A_148 = arith.constant 80 : index
      %swap3A_149 = tpu.vector_load %arg16[%swap3A_147, %swap3A_148] {strides = array<i32>} : memref<128x128xf32, #tpu.memory_space<vmem>>, vector<16xf32>,
      tpu.vector_store %arg16[%swap3A_147, %swap3A_148], %broadcast_in_dim3A_22 {strides = array<i32>} : memref<128x128xf32, #tpu.memory_space<vmem>>, vector<16xf32>,
      %swap3A_150 = arith.index_cast %scan3A_116 : i32 to index
      %swap3A_151 = arith.constant 80 : index
      %swap3A_152 = tpu.vector_load %arg17[%swap3A_150, %swap3A_151] {strides = array<i32>} : memref<128x128xf32, #tpu.memory_space<vmem>>, vector<16xf32>,
      tpu.vector_store %arg17[%swap3A_150, %swap3A_151], %broadcast_in_dim3A_22 {strides = array<i32>} : memref<128x128xf32, #tpu.memory_space<vmem>>, vector<16xf32>,
      %swap3A_153 = arith.index_cast %scan3A_116 : i32 to index
      %swap3A_154 = arith.constant 96 : index
      %swap3A_155 = tpu.vector_load %arg16[%swap3A_153, %swap3A_154] {strides = array<i32>} : memref<128x128xf32, #tpu.memory_space<vmem>>, vector<16xf32>,
      tpu.vector_store %arg16[%swap3A_153, %swap3A_154], %broadcast_in_dim3A_22 {strides = array<i32>} : memref<128x128xf32, #tpu.memory_space<vmem>>, vector<16xf32>,
      %swap3A_156 = arith.index_cast %scan3A_116 : i32 to index
      %swap3A_157 = arith.constant 96 : index
      %swap3A_158 = tpu.vector_load %arg17[%swap3A_156, %swap3A_157] {strides = array<i32>} : memref<128x128xf32, #tpu.memory_space<vmem>>, vector<16xf32>,
      tpu.vector_store %arg17[%swap3A_156, %swap3A_157], %broadcast_in_dim3A_22 {strides = array<i32>} : memref<128x128xf32, #tpu.memory_space<vmem>>, vector<16xf32>,
      %swap3A_159 = arith.index_cast %scan3A_116 : i32 to index
      %swap3A_160 = arith.constant 112 : index
      %swap3A_161 = tpu.vector_load %arg16[%swap3A_159, %swap3A_160] {strides = array<i32>} : memref<128x128xf32, #tpu.memory_space<vmem>>, vector<16xf32>,
      tpu.vector_store %arg16[%swap3A_159, %swap3A_160], %broadcast_in_dim3A_22 {strides = array<i32>} : memref<128x128xf32, #tpu.memory_space<vmem>>, vector<16xf32>,
      %swap3A_162 = arith.index_cast %scan3A_116 : i32 to index
      %swap3A_163 = arith.constant 112 : index
      %swap3A_164 = tpu.vector_load %arg17[%swap3A_162, %swap3A_163] {strides = array<i32>} : memref<128x128xf32, #tpu.memory_space<vmem>>, vector<16xf32>,
      tpu.vector_store %arg17[%swap3A_162, %swap3A_163], %broadcast_in_dim3A_22 {strides = array<i32>} : memref<128x128xf32, #tpu.memory_space<vmem>>, vector<16xf32>,
    }
    %scan3A_27 = arith.constant 128 : i32
    %add3A_28 = arith.constant 0 : i32
    %add3A_29 = vector.broadcast %add3A_28 : i32 to vector<16xi32>
    %add3A_30 = arith.addi %iota3A, %add3A_29 : vector<16xi32>
    %swap3A = arith.constant 0 : i32
    %swap3A_31 = arith.index_cast %swap3A : i32 to index
    %swap3A_32 = arith.constant 0 : index
    %swap3A_33 = tpu.vector_load %arg18[%swap3A_31, %swap3A_32] {strides = array<i32>} : memref<1x128xi32, #tpu.memory_space<vmem>>, vector<16xi32>,
    tpu.vector_store %arg18[%swap3A_31, %swap3A_32], %add3A_30 {strides = array<i32>} : memref<1x128xi32, #tpu.memory_space<vmem>>, vector<16xi32>,
    %add3A_34 = arith.constant 16 : i32
    %add3A_35 = vector.broadcast %add3A_34 : i32 to vector<16xi32>
    %add3A_36 = arith.addi %iota3A, %add3A_35 : vector<16xi32>
    %swap3A_37 = arith.constant 0 : i32
    %swap3A_38 = arith.index_cast %swap3A_37 : i32 to index
    %swap3A_39 = arith.constant 16 : index
    %swap3A_40 = tpu.vector_load %arg18[%swap3A_38, %swap3A_39] {strides = array<i32>} : memref<1x128xi32, #tpu.memory_space<vmem>>, vector<16xi32>,
    tpu.vector_store %arg18[%swap3A_38, %swap3A_39], %add3A_36 {strides = array<i32>} : memref<1x128xi32, #tpu.memory_space<vmem>>, vector<16xi32>,
    %add3A_41 = arith.constant 32 : i32
    %add3A_42 = vector.broadcast %add3A_41 : i32 to vector<16xi32>
    %add3A_43 = arith.addi %iota3A, %add3A_42 : vector<16xi32>
    %swap3A_44 = arith.constant 0 : i32
    %swap3A_45 = arith.index_cast %swap3A_44 : i32 to index
    %swap3A_46 = arith.constant 32 : index
    %swap3A_47 = tpu.vector_load %arg18[%swap3A_45, %swap3A_46] {strides = array<i32>} : memref<1x128xi32, #tpu.memory_space<vmem>>, vector<16xi32>,
    tpu.vector_store %arg18[%swap3A_45, %swap3A_46], %add3A_43 {strides = array<i32>} : memref<1x128xi32, #tpu.memory_space<vmem>>, vector<16xi32>,
    %add3A_48 = arith.constant 48 : i32
    %add3A_49 = vector.broadcast %add3A_48 : i32 to vector<16xi32>
    %add3A_50 = arith.addi %iota3A, %add3A_49 : vector<16xi32>
    %swap3A_51 = arith.constant 0 : i32
    %swap3A_52 = arith.index_cast %swap3A_51 : i32 to index
    %swap3A_53 = arith.constant 48 : index
    %swap3A_54 = tpu.vector_load %arg18[%swap3A_52, %swap3A_53] {strides = array<i32>} : memref<1x128xi32, #tpu.memory_space<vmem>>, vector<16xi32>,
    tpu.vector_store %arg18[%swap3A_52, %swap3A_53], %add3A_50 {strides = array<i32>} : memref<1x128xi32, #tpu.memory_space<vmem>>, vector<16xi32>,
    %add3A_55 = arith.constant 64 : i32
    %add3A_56 = vector.broadcast %add3A_55 : i32 to vector<16xi32>
    %add3A_57 = arith.addi %iota3A, %add3A_56 : vector<16xi32>
    %swap3A_58 = arith.constant 0 : i32
    %swap3A_59 = arith.index_cast %swap3A_58 : i32 to index
    %swap3A_60 = arith.constant 64 : index
    %swap3A_61 = tpu.vector_load %arg18[%swap3A_59, %swap3A_60] {strides = array<i32>} : memref<1x128xi32, #tpu.memory_space<vmem>>, vector<16xi32>,
    tpu.vector_store %arg18[%swap3A_59, %swap3A_60], %add3A_57 {strides = array<i32>} : memref<1x128xi32, #tpu.memory_space<vmem>>, vector<16xi32>,
    %add3A_62 = arith.constant 80 : i32
    %add3A_63 = vector.broadcast %add3A_62 : i32 to vector<16xi32>
    %add3A_64 = arith.addi %iota3A, %add3A_63 : vector<16xi32>
    %swap3A_65 = arith.constant 0 : i32
    %swap3A_66 = arith.index_cast %swap3A_65 : i32 to index
    %swap3A_67 = arith.constant 80 : index
    %swap3A_68 = tpu.vector_load %arg18[%swap3A_66, %swap3A_67] {strides = array<i32>} : memref<1x128xi32, #tpu.memory_space<vmem>>, vector<16xi32>,
    tpu.vector_store %arg18[%swap3A_66, %swap3A_67], %add3A_64 {strides = array<i32>} : memref<1x128xi32, #tpu.memory_space<vmem>>, vector<16xi32>,
    %add3A_69 = arith.constant 96 : i32
    %add3A_70 = vector.broadcast %add3A_69 : i32 to vector<16xi32>
    %add3A_71 = arith.addi %iota3A, %add3A_70 : vector<16xi32>
    %swap3A_72 = arith.constant 0 : i32
    %swap3A_73 = arith.index_cast %swap3A_72 : i32 to index
    %swap3A_74 = arith.constant 96 : index
    %swap3A_75 = tpu.vector_load %arg18[%swap3A_73, %swap3A_74] {strides = array<i32>} : memref<1x128xi32, #tpu.memory_space<vmem>>, vector<16xi32>,
    tpu.vector_store %arg18[%swap3A_73, %swap3A_74], %add3A_71 {strides = array<i32>} : memref<1x128xi32, #tpu.memory_space<vmem>>, vector<16xi32>,
    %add3A_76 = arith.constant 112 : i32
    %add3A_77 = vector.broadcast %add3A_76 : i32 to vector<16xi32>
    %add3A_78 = arith.addi %iota3A, %add3A_77 : vector<16xi32>
    %swap3A_79 = arith.constant 0 : i32
    %swap3A_80 = arith.index_cast %swap3A_79 : i32 to index
    %swap3A_81 = arith.constant 112 : index
    %swap3A_82 = tpu.vector_load %arg18[%swap3A_80, %swap3A_81] {strides = array<i32>} : memref<1x128xi32, #tpu.memory_space<vmem>>, vector<16xi32>,
    tpu.vector_store %arg18[%swap3A_80, %swap3A_81], %add3A_78 {strides = array<i32>} : memref<1x128xi32, #tpu.memory_space<vmem>>, vector<16xi32>,
    %mul3A_83 = arith.constant 64 : i32
    %mul3A_84 = arith.muli %arg1, %mul3A_83 : i32
    %mul3A_85 = arith.constant 8 : i32
    %mul3A_86 = arith.muli %arg1, %mul3A_85 : i32
    "tpu.region"() ({
      %run_scoped3A_116 = tpu.sem_alloc : memref<!tpu.dma_semaphore, #tpu.memory_space<semaphore_mem>>
      %dma_start3A_117 = arith.constant 0 : i32
      %dma_start3A_118 = arith.constant 0 : i32
      %dma_start3A_119 = tpu.memref_slice %arg16[%dma_start3A_117, %dma_start3A_118] : memref<128x128xf32, #tpu.memory_space<vmem>> -> memref<64x128xf32, #tpu.memory_space<vmem>>
      %dma_start3A_120 = arith.constant 0 : i32
      %dma_start3A_121 = tpu.memref_slice %arg19[%mul3A_84, %dma_start3A_120] : memref<1024x128xf32, #tpu.memory_space<vmem_shared>> -> memref<64x128xf32, #tpu.memory_space<vmem_shared>>
      %dma_start3A_122 = arith.constant 0 : i32
      %dma_start3A_123 = tpu.memref_slice %arg19[%mul3A_84, %dma_start3A_122] : memref<1024x128xf32, #tpu.memory_space<vmem_shared>> -> memref<64x128xf32, #tpu.memory_space<vmem_shared>>
      %dma_start3A_124 = arith.constant 0 : i32
      %dma_start3A_125 = arith.constant 0 : i32
      %dma_start3A_126 = tpu.memref_slice %arg16[%dma_start3A_124, %dma_start3A_125] : memref<128x128xf32, #tpu.memory_space<vmem>> -> memref<64x128xf32, #tpu.memory_space<vmem>>
      tpu.enqueue_dma source(%dma_start3A_126 : memref<64x128xf32, #tpu.memory_space<vmem>>) target(%dma_start3A_123 : memref<64x128xf32, #tpu.memory_space<vmem_shared>>) target_semaphore(%run_scoped3A_116 : memref<!tpu.dma_semaphore, #tpu.memory_space<semaphore_mem>>)
      %dma_wait3A_127 = arith.constant 0 : i32
      %dma_wait3A_128 = arith.constant 0 : i32
      %dma_wait3A_129 = tpu.memref_slice %arg16[%dma_wait3A_127, %dma_wait3A_128] : memref<128x128xf32, #tpu.memory_space<vmem>> -> memref<64x128xf32, #tpu.memory_space<vmem>>
      %dma_wait3A_130 = arith.constant 0 : i32
      %dma_wait3A_131 = tpu.memref_slice %arg19[%mul3A_84, %dma_wait3A_130] : memref<1024x128xf32, #tpu.memory_space<vmem_shared>> -> memref<64x128xf32, #tpu.memory_space<vmem_shared>>
      %dma_wait3A_132 = arith.constant 0 : i32
      %dma_wait3A_133 = tpu.memref_slice %arg19[%mul3A_84, %dma_wait3A_132] : memref<1024x128xf32, #tpu.memory_space<vmem_shared>> -> memref<64x128xf32, #tpu.memory_space<vmem_shared>>
      %dma_wait3A_134 = arith.constant 0 : i32
      %dma_wait3A_135 = arith.constant 0 : i32
      %dma_wait3A_136 = tpu.memref_slice %arg16[%dma_wait3A_134, %dma_wait3A_135] : memref<128x128xf32, #tpu.memory_space<vmem>> -> memref<64x128xf32, #tpu.memory_space<vmem>>
      tpu.wait_dma2 semaphore(%run_scoped3A_116 : memref<!tpu.dma_semaphore, #tpu.memory_space<semaphore_mem>>) src(%dma_wait3A_136 : memref<64x128xf32, #tpu.memory_space<vmem>>) dst(%dma_wait3A_133 : memref<64x128xf32, #tpu.memory_space<vmem_shared>>)
      tpu.yield
    }) : () -> ()
    "tpu.region"() ({
      %run_scoped3A_116 = tpu.sem_alloc : memref<!tpu.dma_semaphore, #tpu.memory_space<semaphore_mem>>
      %dma_start3A_117 = arith.constant 0 : i32
      %dma_start3A_118 = arith.constant 0 : i32
      %dma_start3A_119 = tpu.memref_slice %arg16[%dma_start3A_117, %dma_start3A_118] : memref<128x128xf32, #tpu.memory_space<vmem>> -> memref<64x128xf32, #tpu.memory_space<vmem>>
      %dma_start3A_120 = arith.constant 0 : i32
      %dma_start3A_121 = tpu.memref_slice %arg20[%mul3A_84, %dma_start3A_120] : memref<1024x128xf32, #tpu.memory_space<vmem_shared>> -> memref<64x128xf32, #tpu.memory_space<vmem_shared>>
      %dma_start3A_122 = arith.constant 0 : i32
      %dma_start3A_123 = tpu.memref_slice %arg20[%mul3A_84, %dma_start3A_122] : memref<1024x128xf32, #tpu.memory_space<vmem_shared>> -> memref<64x128xf32, #tpu.memory_space<vmem_shared>>
      %dma_start3A_124 = arith.constant 0 : i32
      %dma_start3A_125 = arith.constant 0 : i32
      %dma_start3A_126 = tpu.memref_slice %arg16[%dma_start3A_124, %dma_start3A_125] : memref<128x128xf32, #tpu.memory_space<vmem>> -> memref<64x128xf32, #tpu.memory_space<vmem>>
      tpu.enqueue_dma source(%dma_start3A_126 : memref<64x128xf32, #tpu.memory_space<vmem>>) target(%dma_start3A_123 : memref<64x128xf32, #tpu.memory_space<vmem_shared>>) target_semaphore(%run_scoped3A_116 : memref<!tpu.dma_semaphore, #tpu.memory_space<semaphore_mem>>)
      %dma_wait3A_127 = arith.constant 0 : i32
      %dma_wait3A_128 = arith.constant 0 : i32
      %dma_wait3A_129 = tpu.memref_slice %arg16[%dma_wait3A_127, %dma_wait3A_128] : memref<128x128xf32, #tpu.memory_space<vmem>> -> memref<64x128xf32, #tpu.memory_space<vmem>>
      %dma_wait3A_130 = arith.constant 0 : i32
      %dma_wait3A_131 = tpu.memref_slice %arg20[%mul3A_84, %dma_wait3A_130] : memref<1024x128xf32, #tpu.memory_space<vmem_shared>> -> memref<64x128xf32, #tpu.memory_space<vmem_shared>>
      %dma_wait3A_132 = arith.constant 0 : i32
      %dma_wait3A_133 = tpu.memref_slice %arg20[%mul3A_84, %dma_wait3A_132] : memref<1024x128xf32, #tpu.memory_space<vmem_shared>> -> memref<64x128xf32, #tpu.memory_space<vmem_shared>>
      %dma_wait3A_134 = arith.constant 0 : i32
      %dma_wait3A_135 = arith.constant 0 : i32
      %dma_wait3A_136 = tpu.memref_slice %arg16[%dma_wait3A_134, %dma_wait3A_135] : memref<128x128xf32, #tpu.memory_space<vmem>> -> memref<64x128xf32, #tpu.memory_space<vmem>>
      tpu.wait_dma2 semaphore(%run_scoped3A_116 : memref<!tpu.dma_semaphore, #tpu.memory_space<semaphore_mem>>) src(%dma_wait3A_136 : memref<64x128xf32, #tpu.memory_space<vmem>>) dst(%dma_wait3A_133 : memref<64x128xf32, #tpu.memory_space<vmem_shared>>)
      tpu.yield
    }) : () -> ()
    "tpu.region"() ({
      %run_scoped3A_116 = tpu.sem_alloc : memref<!tpu.dma_semaphore, #tpu.memory_space<semaphore_mem>>
      %dma_start3A_117 = arith.constant 0 : i32
      %dma_start3A_118 = arith.constant 0 : i32
      %dma_start3A_119 = tpu.memref_slice %arg16[%dma_start3A_117, %dma_start3A_118] : memref<128x128xf32, #tpu.memory_space<vmem>> -> memref<8x128xf32, #tpu.memory_space<vmem>>
      %dma_start3A_120 = arith.constant 0 : i32
      %dma_start3A_121 = tpu.memref_slice %arg21[%mul3A_86, %dma_start3A_120] : memref<128x128xf32, #tpu.memory_space<vmem_shared>> -> memref<8x128xf32, #tpu.memory_space<vmem_shared>>
      %dma_start3A_122 = arith.constant 0 : i32
      %dma_start3A_123 = tpu.memref_slice %arg21[%mul3A_86, %dma_start3A_122] : memref<128x128xf32, #tpu.memory_space<vmem_shared>> -> memref<8x128xf32, #tpu.memory_space<vmem_shared>>
      %dma_start3A_124 = arith.constant 0 : i32
      %dma_start3A_125 = arith.constant 0 : i32
      %dma_start3A_126 = tpu.memref_slice %arg16[%dma_start3A_124, %dma_start3A_125] : memref<128x128xf32, #tpu.memory_space<vmem>> -> memref<8x128xf32, #tpu.memory_space<vmem>>
      tpu.enqueue_dma source(%dma_start3A_126 : memref<8x128xf32, #tpu.memory_space<vmem>>) target(%dma_start3A_123 : memref<8x128xf32, #tpu.memory_space<vmem_shared>>) target_semaphore(%run_scoped3A_116 : memref<!tpu.dma_semaphore, #tpu.memory_space<semaphore_mem>>)
      %dma_wait3A_127 = arith.constant 0 : i32
      %dma_wait3A_128 = arith.constant 0 : i32
      %dma_wait3A_129 = tpu.memref_slice %arg16[%dma_wait3A_127, %dma_wait3A_128] : memref<128x128xf32, #tpu.memory_space<vmem>> -> memref<8x128xf32, #tpu.memory_space<vmem>>
      %dma_wait3A_130 = arith.constant 0 : i32
      %dma_wait3A_131 = tpu.memref_slice %arg21[%mul3A_86, %dma_wait3A_130] : memref<128x128xf32, #tpu.memory_space<vmem_shared>> -> memref<8x128xf32, #tpu.memory_space<vmem_shared>>
      %dma_wait3A_132 = arith.constant 0 : i32
      %dma_wait3A_133 = tpu.memref_slice %arg21[%mul3A_86, %dma_wait3A_132] : memref<128x128xf32, #tpu.memory_space<vmem_shared>> -> memref<8x128xf32, #tpu.memory_space<vmem_shared>>
      %dma_wait3A_134 = arith.constant 0 : i32
      %dma_wait3A_135 = arith.constant 0 : i32
      %dma_wait3A_136 = tpu.memref_slice %arg16[%dma_wait3A_134, %dma_wait3A_135] : memref<128x128xf32, #tpu.memory_space<vmem>> -> memref<8x128xf32, #tpu.memory_space<vmem>>
      tpu.wait_dma2 semaphore(%run_scoped3A_116 : memref<!tpu.dma_semaphore, #tpu.memory_space<semaphore_mem>>) src(%dma_wait3A_136 : memref<8x128xf32, #tpu.memory_space<vmem>>) dst(%dma_wait3A_133 : memref<8x128xf32, #tpu.memory_space<vmem_shared>>)
      tpu.yield
    }) : () -> ()
    "tpu.region"() ({
      %run_scoped3A_116 = tpu.sem_alloc : memref<!tpu.dma_semaphore, #tpu.memory_space<semaphore_mem>>
      %dma_start3A_117 = arith.constant 0 : i32
      %dma_start3A_118 = arith.constant 0 : i32
      %dma_start3A_119 = tpu.memref_slice %arg16[%dma_start3A_117, %dma_start3A_118] : memref<128x128xf32, #tpu.memory_space<vmem>> -> memref<8x128xf32, #tpu.memory_space<vmem>>
      %dma_start3A_120 = arith.constant 0 : i32
      %dma_start3A_121 = tpu.memref_slice %arg22[%mul3A_86, %dma_start3A_120] : memref<128x128xf32, #tpu.memory_space<vmem_shared>> -> memref<8x128xf32, #tpu.memory_space<vmem_shared>>
      %dma_start3A_122 = arith.constant 0 : i32
      %dma_start3A_123 = tpu.memref_slice %arg22[%mul3A_86, %dma_start3A_122] : memref<128x128xf32, #tpu.memory_space<vmem_shared>> -> memref<8x128xf32, #tpu.memory_space<vmem_shared>>
      %dma_start3A_124 = arith.constant 0 : i32
      %dma_start3A_125 = arith.constant 0 : i32
      %dma_start3A_126 = tpu.memref_slice %arg16[%dma_start3A_124, %dma_start3A_125] : memref<128x128xf32, #tpu.memory_space<vmem>> -> memref<8x128xf32, #tpu.memory_space<vmem>>
      tpu.enqueue_dma source(%dma_start3A_126 : memref<8x128xf32, #tpu.memory_space<vmem>>) target(%dma_start3A_123 : memref<8x128xf32, #tpu.memory_space<vmem_shared>>) target_semaphore(%run_scoped3A_116 : memref<!tpu.dma_semaphore, #tpu.memory_space<semaphore_mem>>)
      %dma_wait3A_127 = arith.constant 0 : i32
      %dma_wait3A_128 = arith.constant 0 : i32
      %dma_wait3A_129 = tpu.memref_slice %arg16[%dma_wait3A_127, %dma_wait3A_128] : memref<128x128xf32, #tpu.memory_space<vmem>> -> memref<8x128xf32, #tpu.memory_space<vmem>>
      %dma_wait3A_130 = arith.constant 0 : i32
      %dma_wait3A_131 = tpu.memref_slice %arg22[%mul3A_86, %dma_wait3A_130] : memref<128x128xf32, #tpu.memory_space<vmem_shared>> -> memref<8x128xf32, #tpu.memory_space<vmem_shared>>
      %dma_wait3A_132 = arith.constant 0 : i32
      %dma_wait3A_133 = tpu.memref_slice %arg22[%mul3A_86, %dma_wait3A_132] : memref<128x128xf32, #tpu.memory_space<vmem_shared>> -> memref<8x128xf32, #tpu.memory_space<vmem_shared>>
      %dma_wait3A_134 = arith.constant 0 : i32
      %dma_wait3A_135 = arith.constant 0 : i32
      %dma_wait3A_136 = tpu.memref_slice %arg16[%dma_wait3A_134, %dma_wait3A_135] : memref<128x128xf32, #tpu.memory_space<vmem>> -> memref<8x128xf32, #tpu.memory_space<vmem>>
      tpu.wait_dma2 semaphore(%run_scoped3A_116 : memref<!tpu.dma_semaphore, #tpu.memory_space<semaphore_mem>>) src(%dma_wait3A_136 : memref<8x128xf32, #tpu.memory_space<vmem>>) dst(%dma_wait3A_133 : memref<8x128xf32, #tpu.memory_space<vmem_shared>>)
      tpu.yield
    }) : () -> ()
    %mul3A_87 = arith.constant 16 : i32
    %mul3A_88 = arith.muli %add3A, %mul3A_87 : i32
    "tpu.region"() ({
      %run_scoped3A_116 = tpu.sem_alloc : memref<!tpu.dma_semaphore, #tpu.memory_space<semaphore_mem>>
      %dma_start3A_117 = arith.constant 0 : i32
      %dma_start3A_118 = tpu.memref_slice %arg4[%mul3A_88, %dma_start3A_117] : memref<512x128xi32, #tpu.memory_space<hbm>> -> memref<16x128xi32, #tpu.memory_space<hbm>>
      %dma_start3A_119 = arith.constant 0 : i32
      %dma_start3A_120 = tpu.memref_slice %arg4[%mul3A_88, %dma_start3A_119] : memref<512x128xi32, #tpu.memory_space<hbm>> -> memref<16x128xi32, #tpu.memory_space<hbm>>
      tpu.enqueue_dma source(%dma_start3A_120 : memref<16x128xi32, #tpu.memory_space<hbm>>) target(%arg10 : memref<16x128xi32, #tpu.memory_space<vmem>>) target_semaphore(%run_scoped3A_116 : memref<!tpu.dma_semaphore, #tpu.memory_space<semaphore_mem>>)
      %dma_wait3A_121 = arith.constant 0 : i32
      %dma_wait3A_122 = tpu.memref_slice %arg4[%mul3A_88, %dma_wait3A_121] : memref<512x128xi32, #tpu.memory_space<hbm>> -> memref<16x128xi32, #tpu.memory_space<hbm>>
      %dma_wait3A_123 = arith.constant 0 : i32
      %dma_wait3A_124 = tpu.memref_slice %arg4[%mul3A_88, %dma_wait3A_123] : memref<512x128xi32, #tpu.memory_space<hbm>> -> memref<16x128xi32, #tpu.memory_space<hbm>>
      tpu.wait_dma2 semaphore(%run_scoped3A_116 : memref<!tpu.dma_semaphore, #tpu.memory_space<semaphore_mem>>) src(%dma_wait3A_124 : memref<16x128xi32, #tpu.memory_space<hbm>>) dst(%arg10 : memref<16x128xi32, #tpu.memory_space<vmem>>)
      tpu.yield
    }) : () -> ()
    %mul3A_89 = arith.constant 16 : i32
    %mul3A_90 = arith.muli %add3A, %mul3A_89 : i32
    "tpu.region"() ({
      %run_scoped3A_116 = tpu.sem_alloc : memref<!tpu.dma_semaphore, #tpu.memory_space<semaphore_mem>>
      %dma_start3A_117 = arith.constant 0 : i32
      %dma_start3A_118 = tpu.memref_slice %arg5[%mul3A_90, %dma_start3A_117] : memref<512x128xi32, #tpu.memory_space<hbm>> -> memref<16x128xi32, #tpu.memory_space<hbm>>
      %dma_start3A_119 = arith.constant 0 : i32
      %dma_start3A_120 = tpu.memref_slice %arg5[%mul3A_90, %dma_start3A_119] : memref<512x128xi32, #tpu.memory_space<hbm>> -> memref<16x128xi32, #tpu.memory_space<hbm>>
      tpu.enqueue_dma source(%dma_start3A_120 : memref<16x128xi32, #tpu.memory_space<hbm>>) target(%arg11 : memref<16x128xi32, #tpu.memory_space<vmem>>) target_semaphore(%run_scoped3A_116 : memref<!tpu.dma_semaphore, #tpu.memory_space<semaphore_mem>>)
      %dma_wait3A_121 = arith.constant 0 : i32
      %dma_wait3A_122 = tpu.memref_slice %arg5[%mul3A_90, %dma_wait3A_121] : memref<512x128xi32, #tpu.memory_space<hbm>> -> memref<16x128xi32, #tpu.memory_space<hbm>>
      %dma_wait3A_123 = arith.constant 0 : i32
      %dma_wait3A_124 = tpu.memref_slice %arg5[%mul3A_90, %dma_wait3A_123] : memref<512x128xi32, #tpu.memory_space<hbm>> -> memref<16x128xi32, #tpu.memory_space<hbm>>
      tpu.wait_dma2 semaphore(%run_scoped3A_116 : memref<!tpu.dma_semaphore, #tpu.memory_space<semaphore_mem>>) src(%dma_wait3A_124 : memref<16x128xi32, #tpu.memory_space<hbm>>) dst(%arg11 : memref<16x128xi32, #tpu.memory_space<vmem>>)
      tpu.yield
    }) : () -> ()
    %barrier3A = arith.constant 0 : index
    tpu.barrier barrier_id(%barrier3A)
    %broadcast_in_dim3A_91 = arith.constant 1.000000e+00 : f32
    %broadcast_in_dim3A_92 = vector.broadcast %broadcast_in_dim3A_91 : f32 to vector<16xf32>
    %scan3A_93 = arith.constant 0 : i32
    %scan3A_94 = arith.constant 0 : i32
    %scan3A_95 = arith.constant 8 : i32
    %scan3A_96 = arith.addi %scan3A_94, %scan3A_95 : i32
    %scan3A_97 = arith.constant 1 : i32
    scf.for %scan3A_116 = %scan3A_94 to %scan3A_96 step %scan3A_97  : i32 {
      %mul3A_117 = arith.constant 2 : i32
      %mul3A_118 = arith.muli %mul3A_117, %scan3A_116 : i32
      %add3A_119 = arith.constant 0 : i32
      %add3A_120 = arith.addi %mul3A_118, %add3A_119 : i32
      %dma_wait3A_121 = arith.constant 0 : i32
      %dma_wait3A_122 = tpu.memref_slice %arg2[%mul3A_2, %dma_wait3A_121] : memref<65536x128xf32, #tpu.memory_space<hbm>> -> memref<128x128xf32, #tpu.memory_space<hbm>>
      %dma_wait3A_123 = arith.constant 0 : i32
      %dma_wait3A_124 = tpu.memref_slice %arg2[%mul3A_2, %dma_wait3A_123] : memref<65536x128xf32, #tpu.memory_space<hbm>> -> memref<128x128xf32, #tpu.memory_space<hbm>>
      tpu.wait_dma2 semaphore(%arg23 : memref<!tpu.dma_semaphore, #tpu.memory_space<semaphore_mem>>) src(%dma_wait3A_124 : memref<128x128xf32, #tpu.memory_space<hbm>>) dst(%arg12 : memref<128x128xf32, #tpu.memory_space<vmem>>)
      %dma_start3A_125 = arith.constant 0 : i32
      %dma_start3A_126 = tpu.memref_slice %arg10[%add3A_120, %dma_start3A_125] : memref<16x128xi32, #tpu.memory_space<vmem>> -> memref<1x128xi32, #tpu.memory_space<vmem>>
      %dma_start3A_127 = tpu.memref_squeeze %dma_start3A_126 : memref<1x128xi32, #tpu.memory_space<vmem>> -> memref<128xi32, #tpu.memory_space<vmem>>
      %dma_start3A_128 = arith.constant 0 : i32
      %dma_start3A_129 = arith.constant 0 : i32
      %dma_start3A_130 = tpu.memref_slice %arg19[%dma_start3A_128, %dma_start3A_129] : memref<1024x128xf32, #tpu.memory_space<vmem_shared>> -> memref<1024x128xf32, #tpu.memory_space<vmem_shared>>
      tpu.enqueue_indirect_dma source(%arg12 : memref<128x128xf32, #tpu.memory_space<vmem>>) target(%dma_start3A_130 : memref<1024x128xf32, #tpu.memory_space<vmem_shared>>) offsets(%dma_start3A_127 : memref<128xi32, #tpu.memory_space<vmem>>) semaphore(%arg27 : memref<!tpu.dma_semaphore, #tpu.memory_space<semaphore_mem>>) {add = true}
      %dma_wait3A_131 = arith.constant 0 : i32
      %dma_wait3A_132 = tpu.memref_slice %arg3[%mul3A_2, %dma_wait3A_131] : memref<65536x128xf32, #tpu.memory_space<hbm>> -> memref<128x128xf32, #tpu.memory_space<hbm>>
      %dma_wait3A_133 = arith.constant 0 : i32
      %dma_wait3A_134 = tpu.memref_slice %arg3[%mul3A_2, %dma_wait3A_133] : memref<65536x128xf32, #tpu.memory_space<hbm>> -> memref<128x128xf32, #tpu.memory_space<hbm>>
      tpu.wait_dma2 semaphore(%arg25 : memref<!tpu.dma_semaphore, #tpu.memory_space<semaphore_mem>>) src(%dma_wait3A_134 : memref<128x128xf32, #tpu.memory_space<hbm>>) dst(%arg14 : memref<128x128xf32, #tpu.memory_space<vmem>>)
      %dma_start3A_135 = arith.constant 0 : i32
      %dma_start3A_136 = tpu.memref_slice %arg11[%add3A_120, %dma_start3A_135] : memref<16x128xi32, #tpu.memory_space<vmem>> -> memref<1x128xi32, #tpu.memory_space<vmem>>
      %dma_start3A_137 = tpu.memref_squeeze %dma_start3A_136 : memref<1x128xi32, #tpu.memory_space<vmem>> -> memref<128xi32, #tpu.memory_space<vmem>>
      %dma_start3A_138 = arith.constant 0 : i32
      %dma_start3A_139 = arith.constant 0 : i32
      %dma_start3A_140 = tpu.memref_slice %arg20[%dma_start3A_138, %dma_start3A_139] : memref<1024x128xf32, #tpu.memory_space<vmem_shared>> -> memref<1024x128xf32, #tpu.memory_space<vmem_shared>>
      tpu.enqueue_indirect_dma source(%arg14 : memref<128x128xf32, #tpu.memory_space<vmem>>) target(%dma_start3A_140 : memref<1024x128xf32, #tpu.memory_space<vmem_shared>>) offsets(%dma_start3A_137 : memref<128xi32, #tpu.memory_space<vmem>>) semaphore(%arg29 : memref<!tpu.dma_semaphore, #tpu.memory_space<semaphore_mem>>) {add = true}
      %get3A = arith.index_cast %add3A_120 : i32 to index
      %get3A_141 = arith.constant 0 : index
      %get3A_142 = tpu.vector_load %arg10[%get3A, %get3A_141] {strides = array<i32>} : memref<16x128xi32, #tpu.memory_space<vmem>>, vector<16xi32>,
      %shift_right_logical3A = arith.constant 3 : i32
      %shift_right_logical3A_143 = vector.broadcast %shift_right_logical3A : i32 to vector<16xi32>
      %shift_right_logical3A_144 = arith.shrui %get3A_142, %shift_right_logical3A_143 : vector<16xi32>
      %and3A = arith.constant 7 : i32
      %and3A_145 = vector.broadcast %and3A : i32 to vector<16xi32>
      %and3A_146 = arith.andi %get3A_142, %and3A_145 : vector<16xi32>
      %shift_left3A = arith.constant 4 : i32
      %shift_left3A_147 = vector.broadcast %shift_left3A : i32 to vector<16xi32>
      %shift_left3A_148 = arith.shli %and3A_146, %shift_left3A_147 : vector<16xi32>
      %add3A_149 = arith.addi %shift_left3A_148, %iota3A : vector<16xi32>
      tpu.vector_store_idx %arg16[%shift_right_logical3A_144, %add3A_149], %broadcast_in_dim3A_92 {add = true} : memref<128x128xf32, #tpu.memory_space<vmem>>[vector<16xi32>, vector<16xi32>], vector<16xf32>,
      %get3A_150 = arith.index_cast %add3A_120 : i32 to index
      %get3A_151 = arith.constant 16 : index
      %get3A_152 = tpu.vector_load %arg10[%get3A_150, %get3A_151] {strides = array<i32>} : memref<16x128xi32, #tpu.memory_space<vmem>>, vector<16xi32>,
      %shift_right_logical3A_153 = arith.constant 3 : i32
      %shift_right_logical3A_154 = vector.broadcast %shift_right_logical3A_153 : i32 to vector<16xi32>
      %shift_right_logical3A_155 = arith.shrui %get3A_152, %shift_right_logical3A_154 : vector<16xi32>
      %and3A_156 = arith.constant 7 : i32
      %and3A_157 = vector.broadcast %and3A_156 : i32 to vector<16xi32>
      %and3A_158 = arith.andi %get3A_152, %and3A_157 : vector<16xi32>
      %shift_left3A_159 = arith.constant 4 : i32
      %shift_left3A_160 = vector.broadcast %shift_left3A_159 : i32 to vector<16xi32>
      %shift_left3A_161 = arith.shli %and3A_158, %shift_left3A_160 : vector<16xi32>
      %add3A_162 = arith.addi %shift_left3A_161, %iota3A : vector<16xi32>
      tpu.vector_store_idx %arg16[%shift_right_logical3A_155, %add3A_162], %broadcast_in_dim3A_92 {add = true} : memref<128x128xf32, #tpu.memory_space<vmem>>[vector<16xi32>, vector<16xi32>], vector<16xf32>,
      %get3A_163 = arith.index_cast %add3A_120 : i32 to index
      %get3A_164 = arith.constant 32 : index
      %get3A_165 = tpu.vector_load %arg10[%get3A_163, %get3A_164] {strides = array<i32>} : memref<16x128xi32, #tpu.memory_space<vmem>>, vector<16xi32>,
      %shift_right_logical3A_166 = arith.constant 3 : i32
      %shift_right_logical3A_167 = vector.broadcast %shift_right_logical3A_166 : i32 to vector<16xi32>
      %shift_right_logical3A_168 = arith.shrui %get3A_165, %shift_right_logical3A_167 : vector<16xi32>
      %and3A_169 = arith.constant 7 : i32
      %and3A_170 = vector.broadcast %and3A_169 : i32 to vector<16xi32>
      %and3A_171 = arith.andi %get3A_165, %and3A_170 : vector<16xi32>
      %shift_left3A_172 = arith.constant 4 : i32
      %shift_left3A_173 = vector.broadcast %shift_left3A_172 : i32 to vector<16xi32>
      %shift_left3A_174 = arith.shli %and3A_171, %shift_left3A_173 : vector<16xi32>
      %add3A_175 = arith.addi %shift_left3A_174, %iota3A : vector<16xi32>
      tpu.vector_store_idx %arg16[%shift_right_logical3A_168, %add3A_175], %broadcast_in_dim3A_92 {add = true} : memref<128x128xf32, #tpu.memory_space<vmem>>[vector<16xi32>, vector<16xi32>], vector<16xf32>,
      %get3A_176 = arith.index_cast %add3A_120 : i32 to index
      %get3A_177 = arith.constant 48 : index
      %get3A_178 = tpu.vector_load %arg10[%get3A_176, %get3A_177] {strides = array<i32>} : memref<16x128xi32, #tpu.memory_space<vmem>>, vector<16xi32>,
      %shift_right_logical3A_179 = arith.constant 3 : i32
      %shift_right_logical3A_180 = vector.broadcast %shift_right_logical3A_179 : i32 to vector<16xi32>
      %shift_right_logical3A_181 = arith.shrui %get3A_178, %shift_right_logical3A_180 : vector<16xi32>
      %and3A_182 = arith.constant 7 : i32
      %and3A_183 = vector.broadcast %and3A_182 : i32 to vector<16xi32>
      %and3A_184 = arith.andi %get3A_178, %and3A_183 : vector<16xi32>
      %shift_left3A_185 = arith.constant 4 : i32
      %shift_left3A_186 = vector.broadcast %shift_left3A_185 : i32 to vector<16xi32>
      %shift_left3A_187 = arith.shli %and3A_184, %shift_left3A_186 : vector<16xi32>
      %add3A_188 = arith.addi %shift_left3A_187, %iota3A : vector<16xi32>
      tpu.vector_store_idx %arg16[%shift_right_logical3A_181, %add3A_188], %broadcast_in_dim3A_92 {add = true} : memref<128x128xf32, #tpu.memory_space<vmem>>[vector<16xi32>, vector<16xi32>], vector<16xf32>,
      %get3A_189 = arith.index_cast %add3A_120 : i32 to index
      %get3A_190 = arith.constant 64 : index
      %get3A_191 = tpu.vector_load %arg10[%get3A_189, %get3A_190] {strides = array<i32>} : memref<16x128xi32, #tpu.memory_space<vmem>>, vector<16xi32>,
      %shift_right_logical3A_192 = arith.constant 3 : i32
      %shift_right_logical3A_193 = vector.broadcast %shift_right_logical3A_192 : i32 to vector<16xi32>
      %shift_right_logical3A_194 = arith.shrui %get3A_191, %shift_right_logical3A_193 : vector<16xi32>
      %and3A_195 = arith.constant 7 : i32
      %and3A_196 = vector.broadcast %and3A_195 : i32 to vector<16xi32>
      %and3A_197 = arith.andi %get3A_191, %and3A_196 : vector<16xi32>
      %shift_left3A_198 = arith.constant 4 : i32
      %shift_left3A_199 = vector.broadcast %shift_left3A_198 : i32 to vector<16xi32>
      %shift_left3A_200 = arith.shli %and3A_197, %shift_left3A_199 : vector<16xi32>
      %add3A_201 = arith.addi %shift_left3A_200, %iota3A : vector<16xi32>
      tpu.vector_store_idx %arg16[%shift_right_logical3A_194, %add3A_201], %broadcast_in_dim3A_92 {add = true} : memref<128x128xf32, #tpu.memory_space<vmem>>[vector<16xi32>, vector<16xi32>], vector<16xf32>,
      %get3A_202 = arith.index_cast %add3A_120 : i32 to index
      %get3A_203 = arith.constant 80 : index
      %get3A_204 = tpu.vector_load %arg10[%get3A_202, %get3A_203] {strides = array<i32>} : memref<16x128xi32, #tpu.memory_space<vmem>>, vector<16xi32>,
      %shift_right_logical3A_205 = arith.constant 3 : i32
      %shift_right_logical3A_206 = vector.broadcast %shift_right_logical3A_205 : i32 to vector<16xi32>
      %shift_right_logical3A_207 = arith.shrui %get3A_204, %shift_right_logical3A_206 : vector<16xi32>
      %and3A_208 = arith.constant 7 : i32
      %and3A_209 = vector.broadcast %and3A_208 : i32 to vector<16xi32>
      %and3A_210 = arith.andi %get3A_204, %and3A_209 : vector<16xi32>
      %shift_left3A_211 = arith.constant 4 : i32
      %shift_left3A_212 = vector.broadcast %shift_left3A_211 : i32 to vector<16xi32>
      %shift_left3A_213 = arith.shli %and3A_210, %shift_left3A_212 : vector<16xi32>
      %add3A_214 = arith.addi %shift_left3A_213, %iota3A : vector<16xi32>
      tpu.vector_store_idx %arg16[%shift_right_logical3A_207, %add3A_214], %broadcast_in_dim3A_92 {add = true} : memref<128x128xf32, #tpu.memory_space<vmem>>[vector<16xi32>, vector<16xi32>], vector<16xf32>,
      %get3A_215 = arith.index_cast %add3A_120 : i32 to index
      %get3A_216 = arith.constant 96 : index
      %get3A_217 = tpu.vector_load %arg10[%get3A_215, %get3A_216] {strides = array<i32>} : memref<16x128xi32, #tpu.memory_space<vmem>>, vector<16xi32>,
      %shift_right_logical3A_218 = arith.constant 3 : i32
      %shift_right_logical3A_219 = vector.broadcast %shift_right_logical3A_218 : i32 to vector<16xi32>
      %shift_right_logical3A_220 = arith.shrui %get3A_217, %shift_right_logical3A_219 : vector<16xi32>
      %and3A_221 = arith.constant 7 : i32
      %and3A_222 = vector.broadcast %and3A_221 : i32 to vector<16xi32>
      %and3A_223 = arith.andi %get3A_217, %and3A_222 : vector<16xi32>
      %shift_left3A_224 = arith.constant 4 : i32
      %shift_left3A_225 = vector.broadcast %shift_left3A_224 : i32 to vector<16xi32>
      %shift_left3A_226 = arith.shli %and3A_223, %shift_left3A_225 : vector<16xi32>
      %add3A_227 = arith.addi %shift_left3A_226, %iota3A : vector<16xi32>
      tpu.vector_store_idx %arg16[%shift_right_logical3A_220, %add3A_227], %broadcast_in_dim3A_92 {add = true} : memref<128x128xf32, #tpu.memory_space<vmem>>[vector<16xi32>, vector<16xi32>], vector<16xf32>,
      %get3A_228 = arith.index_cast %add3A_120 : i32 to index
      %get3A_229 = arith.constant 112 : index
      %get3A_230 = tpu.vector_load %arg10[%get3A_228, %get3A_229] {strides = array<i32>} : memref<16x128xi32, #tpu.memory_space<vmem>>, vector<16xi32>,
      %shift_right_logical3A_231 = arith.constant 3 : i32
      %shift_right_logical3A_232 = vector.broadcast %shift_right_logical3A_231 : i32 to vector<16xi32>
      %shift_right_logical3A_233 = arith.shrui %get3A_230, %shift_right_logical3A_232 : vector<16xi32>
      %and3A_234 = arith.constant 7 : i32
      %and3A_235 = vector.broadcast %and3A_234 : i32 to vector<16xi32>
      %and3A_236 = arith.andi %get3A_230, %and3A_235 : vector<16xi32>
      %shift_left3A_237 = arith.constant 4 : i32
      %shift_left3A_238 = vector.broadcast %shift_left3A_237 : i32 to vector<16xi32>
      %shift_left3A_239 = arith.shli %and3A_236, %shift_left3A_238 : vector<16xi32>
      %add3A_240 = arith.addi %shift_left3A_239, %iota3A : vector<16xi32>
      tpu.vector_store_idx %arg16[%shift_right_logical3A_233, %add3A_240], %broadcast_in_dim3A_92 {add = true} : memref<128x128xf32, #tpu.memory_space<vmem>>[vector<16xi32>, vector<16xi32>], vector<16xf32>,
      %get3A_241 = arith.index_cast %add3A_120 : i32 to index
      %get3A_242 = arith.constant 0 : index
      %get3A_243 = tpu.vector_load %arg11[%get3A_241, %get3A_242] {strides = array<i32>} : memref<16x128xi32, #tpu.memory_space<vmem>>, vector<16xi32>,
      %shift_right_logical3A_244 = arith.constant 3 : i32
      %shift_right_logical3A_245 = vector.broadcast %shift_right_logical3A_244 : i32 to vector<16xi32>
      %shift_right_logical3A_246 = arith.shrui %get3A_243, %shift_right_logical3A_245 : vector<16xi32>
      %and3A_247 = arith.constant 7 : i32
      %and3A_248 = vector.broadcast %and3A_247 : i32 to vector<16xi32>
      %and3A_249 = arith.andi %get3A_243, %and3A_248 : vector<16xi32>
      %shift_left3A_250 = arith.constant 4 : i32
      %shift_left3A_251 = vector.broadcast %shift_left3A_250 : i32 to vector<16xi32>
      %shift_left3A_252 = arith.shli %and3A_249, %shift_left3A_251 : vector<16xi32>
      %add3A_253 = arith.addi %shift_left3A_252, %iota3A : vector<16xi32>
      tpu.vector_store_idx %arg17[%shift_right_logical3A_246, %add3A_253], %broadcast_in_dim3A_92 {add = true} : memref<128x128xf32, #tpu.memory_space<vmem>>[vector<16xi32>, vector<16xi32>], vector<16xf32>,
      %get3A_254 = arith.index_cast %add3A_120 : i32 to index
      %get3A_255 = arith.constant 16 : index
      %get3A_256 = tpu.vector_load %arg11[%get3A_254, %get3A_255] {strides = array<i32>} : memref<16x128xi32, #tpu.memory_space<vmem>>, vector<16xi32>,
      %shift_right_logical3A_257 = arith.constant 3 : i32
      %shift_right_logical3A_258 = vector.broadcast %shift_right_logical3A_257 : i32 to vector<16xi32>
      %shift_right_logical3A_259 = arith.shrui %get3A_256, %shift_right_logical3A_258 : vector<16xi32>
      %and3A_260 = arith.constant 7 : i32
      %and3A_261 = vector.broadcast %and3A_260 : i32 to vector<16xi32>
      %and3A_262 = arith.andi %get3A_256, %and3A_261 : vector<16xi32>
      %shift_left3A_263 = arith.constant 4 : i32
      %shift_left3A_264 = vector.broadcast %shift_left3A_263 : i32 to vector<16xi32>
      %shift_left3A_265 = arith.shli %and3A_262, %shift_left3A_264 : vector<16xi32>
      %add3A_266 = arith.addi %shift_left3A_265, %iota3A : vector<16xi32>
      tpu.vector_store_idx %arg17[%shift_right_logical3A_259, %add3A_266], %broadcast_in_dim3A_92 {add = true} : memref<128x128xf32, #tpu.memory_space<vmem>>[vector<16xi32>, vector<16xi32>], vector<16xf32>,
      %get3A_267 = arith.index_cast %add3A_120 : i32 to index
      %get3A_268 = arith.constant 32 : index
      %get3A_269 = tpu.vector_load %arg11[%get3A_267, %get3A_268] {strides = array<i32>} : memref<16x128xi32, #tpu.memory_space<vmem>>, vector<16xi32>,
      %shift_right_logical3A_270 = arith.constant 3 : i32
      %shift_right_logical3A_271 = vector.broadcast %shift_right_logical3A_270 : i32 to vector<16xi32>
      %shift_right_logical3A_272 = arith.shrui %get3A_269, %shift_right_logical3A_271 : vector<16xi32>
      %and3A_273 = arith.constant 7 : i32
      %and3A_274 = vector.broadcast %and3A_273 : i32 to vector<16xi32>
      %and3A_275 = arith.andi %get3A_269, %and3A_274 : vector<16xi32>
      %shift_left3A_276 = arith.constant 4 : i32
      %shift_left3A_277 = vector.broadcast %shift_left3A_276 : i32 to vector<16xi32>
      %shift_left3A_278 = arith.shli %and3A_275, %shift_left3A_277 : vector<16xi32>
      %add3A_279 = arith.addi %shift_left3A_278, %iota3A : vector<16xi32>
      tpu.vector_store_idx %arg17[%shift_right_logical3A_272, %add3A_279], %broadcast_in_dim3A_92 {add = true} : memref<128x128xf32, #tpu.memory_space<vmem>>[vector<16xi32>, vector<16xi32>], vector<16xf32>,
      %get3A_280 = arith.index_cast %add3A_120 : i32 to index
      %get3A_281 = arith.constant 48 : index
      %get3A_282 = tpu.vector_load %arg11[%get3A_280, %get3A_281] {strides = array<i32>} : memref<16x128xi32, #tpu.memory_space<vmem>>, vector<16xi32>,
      %shift_right_logical3A_283 = arith.constant 3 : i32
      %shift_right_logical3A_284 = vector.broadcast %shift_right_logical3A_283 : i32 to vector<16xi32>
      %shift_right_logical3A_285 = arith.shrui %get3A_282, %shift_right_logical3A_284 : vector<16xi32>
      %and3A_286 = arith.constant 7 : i32
      %and3A_287 = vector.broadcast %and3A_286 : i32 to vector<16xi32>
      %and3A_288 = arith.andi %get3A_282, %and3A_287 : vector<16xi32>
      %shift_left3A_289 = arith.constant 4 : i32
      %shift_left3A_290 = vector.broadcast %shift_left3A_289 : i32 to vector<16xi32>
      %shift_left3A_291 = arith.shli %and3A_288, %shift_left3A_290 : vector<16xi32>
      %add3A_292 = arith.addi %shift_left3A_291, %iota3A : vector<16xi32>
      tpu.vector_store_idx %arg17[%shift_right_logical3A_285, %add3A_292], %broadcast_in_dim3A_92 {add = true} : memref<128x128xf32, #tpu.memory_space<vmem>>[vector<16xi32>, vector<16xi32>], vector<16xf32>,
      %get3A_293 = arith.index_cast %add3A_120 : i32 to index
      %get3A_294 = arith.constant 64 : index
      %get3A_295 = tpu.vector_load %arg11[%get3A_293, %get3A_294] {strides = array<i32>} : memref<16x128xi32, #tpu.memory_space<vmem>>, vector<16xi32>,
      %shift_right_logical3A_296 = arith.constant 3 : i32
      %shift_right_logical3A_297 = vector.broadcast %shift_right_logical3A_296 : i32 to vector<16xi32>
      %shift_right_logical3A_298 = arith.shrui %get3A_295, %shift_right_logical3A_297 : vector<16xi32>
      %and3A_299 = arith.constant 7 : i32
      %and3A_300 = vector.broadcast %and3A_299 : i32 to vector<16xi32>
      %and3A_301 = arith.andi %get3A_295, %and3A_300 : vector<16xi32>
      %shift_left3A_302 = arith.constant 4 : i32
      %shift_left3A_303 = vector.broadcast %shift_left3A_302 : i32 to vector<16xi32>
      %shift_left3A_304 = arith.shli %and3A_301, %shift_left3A_303 : vector<16xi32>
      %add3A_305 = arith.addi %shift_left3A_304, %iota3A : vector<16xi32>
      tpu.vector_store_idx %arg17[%shift_right_logical3A_298, %add3A_305], %broadcast_in_dim3A_92 {add = true} : memref<128x128xf32, #tpu.memory_space<vmem>>[vector<16xi32>, vector<16xi32>], vector<16xf32>,
      %get3A_306 = arith.index_cast %add3A_120 : i32 to index
      %get3A_307 = arith.constant 80 : index
      %get3A_308 = tpu.vector_load %arg11[%get3A_306, %get3A_307] {strides = array<i32>} : memref<16x128xi32, #tpu.memory_space<vmem>>, vector<16xi32>,
      %shift_right_logical3A_309 = arith.constant 3 : i32
      %shift_right_logical3A_310 = vector.broadcast %shift_right_logical3A_309 : i32 to vector<16xi32>
      %shift_right_logical3A_311 = arith.shrui %get3A_308, %shift_right_logical3A_310 : vector<16xi32>
      %and3A_312 = arith.constant 7 : i32
      %and3A_313 = vector.broadcast %and3A_312 : i32 to vector<16xi32>
      %and3A_314 = arith.andi %get3A_308, %and3A_313 : vector<16xi32>
      %shift_left3A_315 = arith.constant 4 : i32
      %shift_left3A_316 = vector.broadcast %shift_left3A_315 : i32 to vector<16xi32>
      %shift_left3A_317 = arith.shli %and3A_314, %shift_left3A_316 : vector<16xi32>
      %add3A_318 = arith.addi %shift_left3A_317, %iota3A : vector<16xi32>
      tpu.vector_store_idx %arg17[%shift_right_logical3A_311, %add3A_318], %broadcast_in_dim3A_92 {add = true} : memref<128x128xf32, #tpu.memory_space<vmem>>[vector<16xi32>, vector<16xi32>], vector<16xf32>,
      %get3A_319 = arith.index_cast %add3A_120 : i32 to index
      %get3A_320 = arith.constant 96 : index
      %get3A_321 = tpu.vector_load %arg11[%get3A_319, %get3A_320] {strides = array<i32>} : memref<16x128xi32, #tpu.memory_space<vmem>>, vector<16xi32>,
      %shift_right_logical3A_322 = arith.constant 3 : i32
      %shift_right_logical3A_323 = vector.broadcast %shift_right_logical3A_322 : i32 to vector<16xi32>
      %shift_right_logical3A_324 = arith.shrui %get3A_321, %shift_right_logical3A_323 : vector<16xi32>
      %and3A_325 = arith.constant 7 : i32
      %and3A_326 = vector.broadcast %and3A_325 : i32 to vector<16xi32>
      %and3A_327 = arith.andi %get3A_321, %and3A_326 : vector<16xi32>
      %shift_left3A_328 = arith.constant 4 : i32
      %shift_left3A_329 = vector.broadcast %shift_left3A_328 : i32 to vector<16xi32>
      %shift_left3A_330 = arith.shli %and3A_327, %shift_left3A_329 : vector<16xi32>
      %add3A_331 = arith.addi %shift_left3A_330, %iota3A : vector<16xi32>
      tpu.vector_store_idx %arg17[%shift_right_logical3A_324, %add3A_331], %broadcast_in_dim3A_92 {add = true} : memref<128x128xf32, #tpu.memory_space<vmem>>[vector<16xi32>, vector<16xi32>], vector<16xf32>,
      %get3A_332 = arith.index_cast %add3A_120 : i32 to index
      %get3A_333 = arith.constant 112 : index
      %get3A_334 = tpu.vector_load %arg11[%get3A_332, %get3A_333] {strides = array<i32>} : memref<16x128xi32, #tpu.memory_space<vmem>>, vector<16xi32>,
      %shift_right_logical3A_335 = arith.constant 3 : i32
      %shift_right_logical3A_336 = vector.broadcast %shift_right_logical3A_335 : i32 to vector<16xi32>
      %shift_right_logical3A_337 = arith.shrui %get3A_334, %shift_right_logical3A_336 : vector<16xi32>
      %and3A_338 = arith.constant 7 : i32
      %and3A_339 = vector.broadcast %and3A_338 : i32 to vector<16xi32>
      %and3A_340 = arith.andi %get3A_334, %and3A_339 : vector<16xi32>
      %shift_left3A_341 = arith.constant 4 : i32
      %shift_left3A_342 = vector.broadcast %shift_left3A_341 : i32 to vector<16xi32>
      %shift_left3A_343 = arith.shli %and3A_340, %shift_left3A_342 : vector<16xi32>
      %add3A_344 = arith.addi %shift_left3A_343, %iota3A : vector<16xi32>
      tpu.vector_store_idx %arg17[%shift_right_logical3A_337, %add3A_344], %broadcast_in_dim3A_92 {add = true} : memref<128x128xf32, #tpu.memory_space<vmem>>[vector<16xi32>, vector<16xi32>], vector<16xf32>,
      %mul3A_345 = arith.constant 2 : i32
      %mul3A_346 = arith.muli %mul3A_345, %scan3A_116 : i32
      %add3A_347 = arith.constant 1 : i32
      %add3A_348 = arith.addi %mul3A_346, %add3A_347 : i32
      %dma_wait3A_349 = arith.constant 0 : i32
      %dma_wait3A_350 = tpu.memref_slice %arg2[%mul3A_2, %dma_wait3A_349] : memref<65536x128xf32, #tpu.memory_space<hbm>> -> memref<128x128xf32, #tpu.memory_space<hbm>>
      %dma_wait3A_351 = arith.constant 0 : i32
      %dma_wait3A_352 = tpu.memref_slice %arg2[%mul3A_2, %dma_wait3A_351] : memref<65536x128xf32, #tpu.memory_space<hbm>> -> memref<128x128xf32, #tpu.memory_space<hbm>>
      tpu.wait_dma2 semaphore(%arg24 : memref<!tpu.dma_semaphore, #tpu.memory_space<semaphore_mem>>) src(%dma_wait3A_352 : memref<128x128xf32, #tpu.memory_space<hbm>>) dst(%arg13 : memref<128x128xf32, #tpu.memory_space<vmem>>)
      %dma_start3A_353 = arith.constant 0 : i32
      %dma_start3A_354 = tpu.memref_slice %arg10[%add3A_348, %dma_start3A_353] : memref<16x128xi32, #tpu.memory_space<vmem>> -> memref<1x128xi32, #tpu.memory_space<vmem>>
      %dma_start3A_355 = tpu.memref_squeeze %dma_start3A_354 : memref<1x128xi32, #tpu.memory_space<vmem>> -> memref<128xi32, #tpu.memory_space<vmem>>
      %dma_start3A_356 = arith.constant 0 : i32
      %dma_start3A_357 = arith.constant 0 : i32
      %dma_start3A_358 = tpu.memref_slice %arg19[%dma_start3A_356, %dma_start3A_357] : memref<1024x128xf32, #tpu.memory_space<vmem_shared>> -> memref<1024x128xf32, #tpu.memory_space<vmem_shared>>
      tpu.enqueue_indirect_dma source(%arg13 : memref<128x128xf32, #tpu.memory_space<vmem>>) target(%dma_start3A_358 : memref<1024x128xf32, #tpu.memory_space<vmem_shared>>) offsets(%dma_start3A_355 : memref<128xi32, #tpu.memory_space<vmem>>) semaphore(%arg28 : memref<!tpu.dma_semaphore, #tpu.memory_space<semaphore_mem>>) {add = true}
      %dma_wait3A_359 = arith.constant 0 : i32
      %dma_wait3A_360 = tpu.memref_slice %arg3[%mul3A_2, %dma_wait3A_359] : memref<65536x128xf32, #tpu.memory_space<hbm>> -> memref<128x128xf32, #tpu.memory_space<hbm>>
      %dma_wait3A_361 = arith.constant 0 : i32
      %dma_wait3A_362 = tpu.memref_slice %arg3[%mul3A_2, %dma_wait3A_361] : memref<65536x128xf32, #tpu.memory_space<hbm>> -> memref<128x128xf32, #tpu.memory_space<hbm>>
      tpu.wait_dma2 semaphore(%arg26 : memref<!tpu.dma_semaphore, #tpu.memory_space<semaphore_mem>>) src(%dma_wait3A_362 : memref<128x128xf32, #tpu.memory_space<hbm>>) dst(%arg15 : memref<128x128xf32, #tpu.memory_space<vmem>>)
      %dma_start3A_363 = arith.constant 0 : i32
      %dma_start3A_364 = tpu.memref_slice %arg11[%add3A_348, %dma_start3A_363] : memref<16x128xi32, #tpu.memory_space<vmem>> -> memref<1x128xi32, #tpu.memory_space<vmem>>
      %dma_start3A_365 = tpu.memref_squeeze %dma_start3A_364 : memref<1x128xi32, #tpu.memory_space<vmem>> -> memref<128xi32, #tpu.memory_space<vmem>>
      %dma_start3A_366 = arith.constant 0 : i32
      %dma_start3A_367 = arith.constant 0 : i32
      %dma_start3A_368 = tpu.memref_slice %arg20[%dma_start3A_366, %dma_start3A_367] : memref<1024x128xf32, #tpu.memory_space<vmem_shared>> -> memref<1024x128xf32, #tpu.memory_space<vmem_shared>>
      tpu.enqueue_indirect_dma source(%arg15 : memref<128x128xf32, #tpu.memory_space<vmem>>) target(%dma_start3A_368 : memref<1024x128xf32, #tpu.memory_space<vmem_shared>>) offsets(%dma_start3A_365 : memref<128xi32, #tpu.memory_space<vmem>>) semaphore(%arg30 : memref<!tpu.dma_semaphore, #tpu.memory_space<semaphore_mem>>) {add = true}
      %get3A_369 = arith.index_cast %add3A_348 : i32 to index
      %get3A_370 = arith.constant 0 : index
      %get3A_371 = tpu.vector_load %arg10[%get3A_369, %get3A_370] {strides = array<i32>} : memref<16x128xi32, #tpu.memory_space<vmem>>, vector<16xi32>,
      %shift_right_logical3A_372 = arith.constant 3 : i32
      %shift_right_logical3A_373 = vector.broadcast %shift_right_logical3A_372 : i32 to vector<16xi32>
      %shift_right_logical3A_374 = arith.shrui %get3A_371, %shift_right_logical3A_373 : vector<16xi32>
      %and3A_375 = arith.constant 7 : i32
      %and3A_376 = vector.broadcast %and3A_375 : i32 to vector<16xi32>
      %and3A_377 = arith.andi %get3A_371, %and3A_376 : vector<16xi32>
      %shift_left3A_378 = arith.constant 4 : i32
      %shift_left3A_379 = vector.broadcast %shift_left3A_378 : i32 to vector<16xi32>
      %shift_left3A_380 = arith.shli %and3A_377, %shift_left3A_379 : vector<16xi32>
      %add3A_381 = arith.addi %shift_left3A_380, %iota3A : vector<16xi32>
      tpu.vector_store_idx %arg16[%shift_right_logical3A_374, %add3A_381], %broadcast_in_dim3A_92 {add = true} : memref<128x128xf32, #tpu.memory_space<vmem>>[vector<16xi32>, vector<16xi32>], vector<16xf32>,
      %get3A_382 = arith.index_cast %add3A_348 : i32 to index
      %get3A_383 = arith.constant 16 : index
      %get3A_384 = tpu.vector_load %arg10[%get3A_382, %get3A_383] {strides = array<i32>} : memref<16x128xi32, #tpu.memory_space<vmem>>, vector<16xi32>,
      %shift_right_logical3A_385 = arith.constant 3 : i32
      %shift_right_logical3A_386 = vector.broadcast %shift_right_logical3A_385 : i32 to vector<16xi32>
      %shift_right_logical3A_387 = arith.shrui %get3A_384, %shift_right_logical3A_386 : vector<16xi32>
      %and3A_388 = arith.constant 7 : i32
      %and3A_389 = vector.broadcast %and3A_388 : i32 to vector<16xi32>
      %and3A_390 = arith.andi %get3A_384, %and3A_389 : vector<16xi32>
      %shift_left3A_391 = arith.constant 4 : i32
      %shift_left3A_392 = vector.broadcast %shift_left3A_391 : i32 to vector<16xi32>
      %shift_left3A_393 = arith.shli %and3A_390, %shift_left3A_392 : vector<16xi32>
      %add3A_394 = arith.addi %shift_left3A_393, %iota3A : vector<16xi32>
      tpu.vector_store_idx %arg16[%shift_right_logical3A_387, %add3A_394], %broadcast_in_dim3A_92 {add = true} : memref<128x128xf32, #tpu.memory_space<vmem>>[vector<16xi32>, vector<16xi32>], vector<16xf32>,
      %get3A_395 = arith.index_cast %add3A_348 : i32 to index
      %get3A_396 = arith.constant 32 : index
      %get3A_397 = tpu.vector_load %arg10[%get3A_395, %get3A_396] {strides = array<i32>} : memref<16x128xi32, #tpu.memory_space<vmem>>, vector<16xi32>,
      %shift_right_logical3A_398 = arith.constant 3 : i32
      %shift_right_logical3A_399 = vector.broadcast %shift_right_logical3A_398 : i32 to vector<16xi32>
      %shift_right_logical3A_400 = arith.shrui %get3A_397, %shift_right_logical3A_399 : vector<16xi32>
      %and3A_401 = arith.constant 7 : i32
      %and3A_402 = vector.broadcast %and3A_401 : i32 to vector<16xi32>
      %and3A_403 = arith.andi %get3A_397, %and3A_402 : vector<16xi32>
      %shift_left3A_404 = arith.constant 4 : i32
      %shift_left3A_405 = vector.broadcast %shift_left3A_404 : i32 to vector<16xi32>
      %shift_left3A_406 = arith.shli %and3A_403, %shift_left3A_405 : vector<16xi32>
      %add3A_407 = arith.addi %shift_left3A_406, %iota3A : vector<16xi32>
      tpu.vector_store_idx %arg16[%shift_right_logical3A_400, %add3A_407], %broadcast_in_dim3A_92 {add = true} : memref<128x128xf32, #tpu.memory_space<vmem>>[vector<16xi32>, vector<16xi32>], vector<16xf32>,
      %get3A_408 = arith.index_cast %add3A_348 : i32 to index
      %get3A_409 = arith.constant 48 : index
      %get3A_410 = tpu.vector_load %arg10[%get3A_408, %get3A_409] {strides = array<i32>} : memref<16x128xi32, #tpu.memory_space<vmem>>, vector<16xi32>,
      %shift_right_logical3A_411 = arith.constant 3 : i32
      %shift_right_logical3A_412 = vector.broadcast %shift_right_logical3A_411 : i32 to vector<16xi32>
      %shift_right_logical3A_413 = arith.shrui %get3A_410, %shift_right_logical3A_412 : vector<16xi32>
      %and3A_414 = arith.constant 7 : i32
      %and3A_415 = vector.broadcast %and3A_414 : i32 to vector<16xi32>
      %and3A_416 = arith.andi %get3A_410, %and3A_415 : vector<16xi32>
      %shift_left3A_417 = arith.constant 4 : i32
      %shift_left3A_418 = vector.broadcast %shift_left3A_417 : i32 to vector<16xi32>
      %shift_left3A_419 = arith.shli %and3A_416, %shift_left3A_418 : vector<16xi32>
      %add3A_420 = arith.addi %shift_left3A_419, %iota3A : vector<16xi32>
      tpu.vector_store_idx %arg16[%shift_right_logical3A_413, %add3A_420], %broadcast_in_dim3A_92 {add = true} : memref<128x128xf32, #tpu.memory_space<vmem>>[vector<16xi32>, vector<16xi32>], vector<16xf32>,
      %get3A_421 = arith.index_cast %add3A_348 : i32 to index
      %get3A_422 = arith.constant 64 : index
      %get3A_423 = tpu.vector_load %arg10[%get3A_421, %get3A_422] {strides = array<i32>} : memref<16x128xi32, #tpu.memory_space<vmem>>, vector<16xi32>,
      %shift_right_logical3A_424 = arith.constant 3 : i32
      %shift_right_logical3A_425 = vector.broadcast %shift_right_logical3A_424 : i32 to vector<16xi32>
      %shift_right_logical3A_426 = arith.shrui %get3A_423, %shift_right_logical3A_425 : vector<16xi32>
      %and3A_427 = arith.constant 7 : i32
      %and3A_428 = vector.broadcast %and3A_427 : i32 to vector<16xi32>
      %and3A_429 = arith.andi %get3A_423, %and3A_428 : vector<16xi32>
      %shift_left3A_430 = arith.constant 4 : i32
      %shift_left3A_431 = vector.broadcast %shift_left3A_430 : i32 to vector<16xi32>
      %shift_left3A_432 = arith.shli %and3A_429, %shift_left3A_431 : vector<16xi32>
      %add3A_433 = arith.addi %shift_left3A_432, %iota3A : vector<16xi32>
      tpu.vector_store_idx %arg16[%shift_right_logical3A_426, %add3A_433], %broadcast_in_dim3A_92 {add = true} : memref<128x128xf32, #tpu.memory_space<vmem>>[vector<16xi32>, vector<16xi32>], vector<16xf32>,
      %get3A_434 = arith.index_cast %add3A_348 : i32 to index
      %get3A_435 = arith.constant 80 : index
      %get3A_436 = tpu.vector_load %arg10[%get3A_434, %get3A_435] {strides = array<i32>} : memref<16x128xi32, #tpu.memory_space<vmem>>, vector<16xi32>,
      %shift_right_logical3A_437 = arith.constant 3 : i32
      %shift_right_logical3A_438 = vector.broadcast %shift_right_logical3A_437 : i32 to vector<16xi32>
      %shift_right_logical3A_439 = arith.shrui %get3A_436, %shift_right_logical3A_438 : vector<16xi32>
      %and3A_440 = arith.constant 7 : i32
      %and3A_441 = vector.broadcast %and3A_440 : i32 to vector<16xi32>
      %and3A_442 = arith.andi %get3A_436, %and3A_441 : vector<16xi32>
      %shift_left3A_443 = arith.constant 4 : i32
      %shift_left3A_444 = vector.broadcast %shift_left3A_443 : i32 to vector<16xi32>
      %shift_left3A_445 = arith.shli %and3A_442, %shift_left3A_444 : vector<16xi32>
      %add3A_446 = arith.addi %shift_left3A_445, %iota3A : vector<16xi32>
      tpu.vector_store_idx %arg16[%shift_right_logical3A_439, %add3A_446], %broadcast_in_dim3A_92 {add = true} : memref<128x128xf32, #tpu.memory_space<vmem>>[vector<16xi32>, vector<16xi32>], vector<16xf32>,
      %get3A_447 = arith.index_cast %add3A_348 : i32 to index
      %get3A_448 = arith.constant 96 : index
      %get3A_449 = tpu.vector_load %arg10[%get3A_447, %get3A_448] {strides = array<i32>} : memref<16x128xi32, #tpu.memory_space<vmem>>, vector<16xi32>,
      %shift_right_logical3A_450 = arith.constant 3 : i32
      %shift_right_logical3A_451 = vector.broadcast %shift_right_logical3A_450 : i32 to vector<16xi32>
      %shift_right_logical3A_452 = arith.shrui %get3A_449, %shift_right_logical3A_451 : vector<16xi32>
      %and3A_453 = arith.constant 7 : i32
      %and3A_454 = vector.broadcast %and3A_453 : i32 to vector<16xi32>
      %and3A_455 = arith.andi %get3A_449, %and3A_454 : vector<16xi32>
      %shift_left3A_456 = arith.constant 4 : i32
      %shift_left3A_457 = vector.broadcast %shift_left3A_456 : i32 to vector<16xi32>
      %shift_left3A_458 = arith.shli %and3A_455, %shift_left3A_457 : vector<16xi32>
      %add3A_459 = arith.addi %shift_left3A_458, %iota3A : vector<16xi32>
      tpu.vector_store_idx %arg16[%shift_right_logical3A_452, %add3A_459], %broadcast_in_dim3A_92 {add = true} : memref<128x128xf32, #tpu.memory_space<vmem>>[vector<16xi32>, vector<16xi32>], vector<16xf32>,
      %get3A_460 = arith.index_cast %add3A_348 : i32 to index
      %get3A_461 = arith.constant 112 : index
      %get3A_462 = tpu.vector_load %arg10[%get3A_460, %get3A_461] {strides = array<i32>} : memref<16x128xi32, #tpu.memory_space<vmem>>, vector<16xi32>,
      %shift_right_logical3A_463 = arith.constant 3 : i32
      %shift_right_logical3A_464 = vector.broadcast %shift_right_logical3A_463 : i32 to vector<16xi32>
      %shift_right_logical3A_465 = arith.shrui %get3A_462, %shift_right_logical3A_464 : vector<16xi32>
      %and3A_466 = arith.constant 7 : i32
      %and3A_467 = vector.broadcast %and3A_466 : i32 to vector<16xi32>
      %and3A_468 = arith.andi %get3A_462, %and3A_467 : vector<16xi32>
      %shift_left3A_469 = arith.constant 4 : i32
      %shift_left3A_470 = vector.broadcast %shift_left3A_469 : i32 to vector<16xi32>
      %shift_left3A_471 = arith.shli %and3A_468, %shift_left3A_470 : vector<16xi32>
      %add3A_472 = arith.addi %shift_left3A_471, %iota3A : vector<16xi32>
      tpu.vector_store_idx %arg16[%shift_right_logical3A_465, %add3A_472], %broadcast_in_dim3A_92 {add = true} : memref<128x128xf32, #tpu.memory_space<vmem>>[vector<16xi32>, vector<16xi32>], vector<16xf32>,
      %get3A_473 = arith.index_cast %add3A_348 : i32 to index
      %get3A_474 = arith.constant 0 : index
      %get3A_475 = tpu.vector_load %arg11[%get3A_473, %get3A_474] {strides = array<i32>} : memref<16x128xi32, #tpu.memory_space<vmem>>, vector<16xi32>,
      %shift_right_logical3A_476 = arith.constant 3 : i32
      %shift_right_logical3A_477 = vector.broadcast %shift_right_logical3A_476 : i32 to vector<16xi32>
      %shift_right_logical3A_478 = arith.shrui %get3A_475, %shift_right_logical3A_477 : vector<16xi32>
      %and3A_479 = arith.constant 7 : i32
      %and3A_480 = vector.broadcast %and3A_479 : i32 to vector<16xi32>
      %and3A_481 = arith.andi %get3A_475, %and3A_480 : vector<16xi32>
      %shift_left3A_482 = arith.constant 4 : i32
      %shift_left3A_483 = vector.broadcast %shift_left3A_482 : i32 to vector<16xi32>
      %shift_left3A_484 = arith.shli %and3A_481, %shift_left3A_483 : vector<16xi32>
      %add3A_485 = arith.addi %shift_left3A_484, %iota3A : vector<16xi32>
      tpu.vector_store_idx %arg17[%shift_right_logical3A_478, %add3A_485], %broadcast_in_dim3A_92 {add = true} : memref<128x128xf32, #tpu.memory_space<vmem>>[vector<16xi32>, vector<16xi32>], vector<16xf32>,
      %get3A_486 = arith.index_cast %add3A_348 : i32 to index
      %get3A_487 = arith.constant 16 : index
      %get3A_488 = tpu.vector_load %arg11[%get3A_486, %get3A_487] {strides = array<i32>} : memref<16x128xi32, #tpu.memory_space<vmem>>, vector<16xi32>,
      %shift_right_logical3A_489 = arith.constant 3 : i32
      %shift_right_logical3A_490 = vector.broadcast %shift_right_logical3A_489 : i32 to vector<16xi32>
      %shift_right_logical3A_491 = arith.shrui %get3A_488, %shift_right_logical3A_490 : vector<16xi32>
      %and3A_492 = arith.constant 7 : i32
      %and3A_493 = vector.broadcast %and3A_492 : i32 to vector<16xi32>
      %and3A_494 = arith.andi %get3A_488, %and3A_493 : vector<16xi32>
      %shift_left3A_495 = arith.constant 4 : i32
      %shift_left3A_496 = vector.broadcast %shift_left3A_495 : i32 to vector<16xi32>
      %shift_left3A_497 = arith.shli %and3A_494, %shift_left3A_496 : vector<16xi32>
      %add3A_498 = arith.addi %shift_left3A_497, %iota3A : vector<16xi32>
      tpu.vector_store_idx %arg17[%shift_right_logical3A_491, %add3A_498], %broadcast_in_dim3A_92 {add = true} : memref<128x128xf32, #tpu.memory_space<vmem>>[vector<16xi32>, vector<16xi32>], vector<16xf32>,
      %get3A_499 = arith.index_cast %add3A_348 : i32 to index
      %get3A_500 = arith.constant 32 : index
      %get3A_501 = tpu.vector_load %arg11[%get3A_499, %get3A_500] {strides = array<i32>} : memref<16x128xi32, #tpu.memory_space<vmem>>, vector<16xi32>,
      %shift_right_logical3A_502 = arith.constant 3 : i32
      %shift_right_logical3A_503 = vector.broadcast %shift_right_logical3A_502 : i32 to vector<16xi32>
      %shift_right_logical3A_504 = arith.shrui %get3A_501, %shift_right_logical3A_503 : vector<16xi32>
      %and3A_505 = arith.constant 7 : i32
      %and3A_506 = vector.broadcast %and3A_505 : i32 to vector<16xi32>
      %and3A_507 = arith.andi %get3A_501, %and3A_506 : vector<16xi32>
      %shift_left3A_508 = arith.constant 4 : i32
      %shift_left3A_509 = vector.broadcast %shift_left3A_508 : i32 to vector<16xi32>
      %shift_left3A_510 = arith.shli %and3A_507, %shift_left3A_509 : vector<16xi32>
      %add3A_511 = arith.addi %shift_left3A_510, %iota3A : vector<16xi32>
      tpu.vector_store_idx %arg17[%shift_right_logical3A_504, %add3A_511], %broadcast_in_dim3A_92 {add = true} : memref<128x128xf32, #tpu.memory_space<vmem>>[vector<16xi32>, vector<16xi32>], vector<16xf32>,
      %get3A_512 = arith.index_cast %add3A_348 : i32 to index
      %get3A_513 = arith.constant 48 : index
      %get3A_514 = tpu.vector_load %arg11[%get3A_512, %get3A_513] {strides = array<i32>} : memref<16x128xi32, #tpu.memory_space<vmem>>, vector<16xi32>,
      %shift_right_logical3A_515 = arith.constant 3 : i32
      %shift_right_logical3A_516 = vector.broadcast %shift_right_logical3A_515 : i32 to vector<16xi32>
      %shift_right_logical3A_517 = arith.shrui %get3A_514, %shift_right_logical3A_516 : vector<16xi32>
      %and3A_518 = arith.constant 7 : i32
      %and3A_519 = vector.broadcast %and3A_518 : i32 to vector<16xi32>
      %and3A_520 = arith.andi %get3A_514, %and3A_519 : vector<16xi32>
      %shift_left3A_521 = arith.constant 4 : i32
      %shift_left3A_522 = vector.broadcast %shift_left3A_521 : i32 to vector<16xi32>
      %shift_left3A_523 = arith.shli %and3A_520, %shift_left3A_522 : vector<16xi32>
      %add3A_524 = arith.addi %shift_left3A_523, %iota3A : vector<16xi32>
      tpu.vector_store_idx %arg17[%shift_right_logical3A_517, %add3A_524], %broadcast_in_dim3A_92 {add = true} : memref<128x128xf32, #tpu.memory_space<vmem>>[vector<16xi32>, vector<16xi32>], vector<16xf32>,
      %get3A_525 = arith.index_cast %add3A_348 : i32 to index
      %get3A_526 = arith.constant 64 : index
      %get3A_527 = tpu.vector_load %arg11[%get3A_525, %get3A_526] {strides = array<i32>} : memref<16x128xi32, #tpu.memory_space<vmem>>, vector<16xi32>,
      %shift_right_logical3A_528 = arith.constant 3 : i32
      %shift_right_logical3A_529 = vector.broadcast %shift_right_logical3A_528 : i32 to vector<16xi32>
      %shift_right_logical3A_530 = arith.shrui %get3A_527, %shift_right_logical3A_529 : vector<16xi32>
      %and3A_531 = arith.constant 7 : i32
      %and3A_532 = vector.broadcast %and3A_531 : i32 to vector<16xi32>
      %and3A_533 = arith.andi %get3A_527, %and3A_532 : vector<16xi32>
      %shift_left3A_534 = arith.constant 4 : i32
      %shift_left3A_535 = vector.broadcast %shift_left3A_534 : i32 to vector<16xi32>
      %shift_left3A_536 = arith.shli %and3A_533, %shift_left3A_535 : vector<16xi32>
      %add3A_537 = arith.addi %shift_left3A_536, %iota3A : vector<16xi32>
      tpu.vector_store_idx %arg17[%shift_right_logical3A_530, %add3A_537], %broadcast_in_dim3A_92 {add = true} : memref<128x128xf32, #tpu.memory_space<vmem>>[vector<16xi32>, vector<16xi32>], vector<16xf32>,
      %get3A_538 = arith.index_cast %add3A_348 : i32 to index
      %get3A_539 = arith.constant 80 : index
      %get3A_540 = tpu.vector_load %arg11[%get3A_538, %get3A_539] {strides = array<i32>} : memref<16x128xi32, #tpu.memory_space<vmem>>, vector<16xi32>,
      %shift_right_logical3A_541 = arith.constant 3 : i32
      %shift_right_logical3A_542 = vector.broadcast %shift_right_logical3A_541 : i32 to vector<16xi32>
      %shift_right_logical3A_543 = arith.shrui %get3A_540, %shift_right_logical3A_542 : vector<16xi32>
      %and3A_544 = arith.constant 7 : i32
      %and3A_545 = vector.broadcast %and3A_544 : i32 to vector<16xi32>
      %and3A_546 = arith.andi %get3A_540, %and3A_545 : vector<16xi32>
      %shift_left3A_547 = arith.constant 4 : i32
      %shift_left3A_548 = vector.broadcast %shift_left3A_547 : i32 to vector<16xi32>
      %shift_left3A_549 = arith.shli %and3A_546, %shift_left3A_548 : vector<16xi32>
      %add3A_550 = arith.addi %shift_left3A_549, %iota3A : vector<16xi32>
      tpu.vector_store_idx %arg17[%shift_right_logical3A_543, %add3A_550], %broadcast_in_dim3A_92 {add = true} : memref<128x128xf32, #tpu.memory_space<vmem>>[vector<16xi32>, vector<16xi32>], vector<16xf32>,
      %get3A_551 = arith.index_cast %add3A_348 : i32 to index
      %get3A_552 = arith.constant 96 : index
      %get3A_553 = tpu.vector_load %arg11[%get3A_551, %get3A_552] {strides = array<i32>} : memref<16x128xi32, #tpu.memory_space<vmem>>, vector<16xi32>,
      %shift_right_logical3A_554 = arith.constant 3 : i32
      %shift_right_logical3A_555 = vector.broadcast %shift_right_logical3A_554 : i32 to vector<16xi32>
      %shift_right_logical3A_556 = arith.shrui %get3A_553, %shift_right_logical3A_555 : vector<16xi32>
      %and3A_557 = arith.constant 7 : i32
      %and3A_558 = vector.broadcast %and3A_557 : i32 to vector<16xi32>
      %and3A_559 = arith.andi %get3A_553, %and3A_558 : vector<16xi32>
      %shift_left3A_560 = arith.constant 4 : i32
      %shift_left3A_561 = vector.broadcast %shift_left3A_560 : i32 to vector<16xi32>
      %shift_left3A_562 = arith.shli %and3A_559, %shift_left3A_561 : vector<16xi32>
      %add3A_563 = arith.addi %shift_left3A_562, %iota3A : vector<16xi32>
      tpu.vector_store_idx %arg17[%shift_right_logical3A_556, %add3A_563], %broadcast_in_dim3A_92 {add = true} : memref<128x128xf32, #tpu.memory_space<vmem>>[vector<16xi32>, vector<16xi32>], vector<16xf32>,
      %get3A_564 = arith.index_cast %add3A_348 : i32 to index
      %get3A_565 = arith.constant 112 : index
      %get3A_566 = tpu.vector_load %arg11[%get3A_564, %get3A_565] {strides = array<i32>} : memref<16x128xi32, #tpu.memory_space<vmem>>, vector<16xi32>,
      %shift_right_logical3A_567 = arith.constant 3 : i32
      %shift_right_logical3A_568 = vector.broadcast %shift_right_logical3A_567 : i32 to vector<16xi32>
      %shift_right_logical3A_569 = arith.shrui %get3A_566, %shift_right_logical3A_568 : vector<16xi32>
      %and3A_570 = arith.constant 7 : i32
      %and3A_571 = vector.broadcast %and3A_570 : i32 to vector<16xi32>
      %and3A_572 = arith.andi %get3A_566, %and3A_571 : vector<16xi32>
      %shift_left3A_573 = arith.constant 4 : i32
      %shift_left3A_574 = vector.broadcast %shift_left3A_573 : i32 to vector<16xi32>
      %shift_left3A_575 = arith.shli %and3A_572, %shift_left3A_574 : vector<16xi32>
      %add3A_576 = arith.addi %shift_left3A_575, %iota3A : vector<16xi32>
      tpu.vector_store_idx %arg17[%shift_right_logical3A_569, %add3A_576], %broadcast_in_dim3A_92 {add = true} : memref<128x128xf32, #tpu.memory_space<vmem>>[vector<16xi32>, vector<16xi32>], vector<16xf32>,
      %lt3A = arith.constant 7 : i32
      %lt3A_577 = arith.cmpi slt, %scan3A_116, %lt3A : i32
      %convert_element_type3A = arith.extui %lt3A_577 : i1 to i32
      %cond3A = arith.constant 0 : i32
      %cond3A_578 = arith.cmpi ne, %convert_element_type3A, %cond3A : i32
      scf.if %cond3A_578 {
        %mul3A_579 = arith.constant 2 : i32
        %mul3A_580 = arith.muli %mul3A_579, %scan3A_116 : i32
        %add3A_581 = arith.constant 2 : i32
        %add3A_582 = arith.addi %mul3A_580, %add3A_581 : i32
        %add3A_583 = arith.constant 0 : i32
        %add3A_584 = arith.addi %add3A_582, %add3A_583 : i32
        %dma_wait3A_585 = arith.constant 0 : i32
        %dma_wait3A_586 = tpu.memref_slice %arg2[%mul3A_2, %dma_wait3A_585] : memref<65536x128xf32, #tpu.memory_space<hbm>> -> memref<128x128xf32, #tpu.memory_space<hbm>>
        %dma_wait3A_587 = arith.constant 0 : i32
        %dma_wait3A_588 = tpu.memref_slice %arg2[%mul3A_2, %dma_wait3A_587] : memref<65536x128xf32, #tpu.memory_space<hbm>> -> memref<128x128xf32, #tpu.memory_space<hbm>>
        tpu.wait_dma2 semaphore(%arg27 : memref<!tpu.dma_semaphore, #tpu.memory_space<semaphore_mem>>) src(%dma_wait3A_588 : memref<128x128xf32, #tpu.memory_space<hbm>>) dst(%arg12 : memref<128x128xf32, #tpu.memory_space<vmem>>)
        %mul3A_589 = arith.constant 128 : i32
        %mul3A_590 = arith.muli %add3A_584, %mul3A_589 : i32
        %add3A_591 = arith.addi %mul3A_2, %mul3A_590 : i32
        %dma_start3A_592 = arith.constant 0 : i32
        %dma_start3A_593 = tpu.memref_slice %arg2[%add3A_591, %dma_start3A_592] : memref<65536x128xf32, #tpu.memory_space<hbm>> -> memref<128x128xf32, #tpu.memory_space<hbm>>
        %dma_start3A_594 = arith.constant 0 : i32
        %dma_start3A_595 = tpu.memref_slice %arg2[%add3A_591, %dma_start3A_594] : memref<65536x128xf32, #tpu.memory_space<hbm>> -> memref<128x128xf32, #tpu.memory_space<hbm>>
        tpu.enqueue_dma source(%dma_start3A_595 : memref<128x128xf32, #tpu.memory_space<hbm>>) target(%arg12 : memref<128x128xf32, #tpu.memory_space<vmem>>) target_semaphore(%arg23 : memref<!tpu.dma_semaphore, #tpu.memory_space<semaphore_mem>>)
        %dma_wait3A_596 = arith.constant 0 : i32
        %dma_wait3A_597 = tpu.memref_slice %arg3[%mul3A_2, %dma_wait3A_596] : memref<65536x128xf32, #tpu.memory_space<hbm>> -> memref<128x128xf32, #tpu.memory_space<hbm>>
        %dma_wait3A_598 = arith.constant 0 : i32
        %dma_wait3A_599 = tpu.memref_slice %arg3[%mul3A_2, %dma_wait3A_598] : memref<65536x128xf32, #tpu.memory_space<hbm>> -> memref<128x128xf32, #tpu.memory_space<hbm>>
        tpu.wait_dma2 semaphore(%arg29 : memref<!tpu.dma_semaphore, #tpu.memory_space<semaphore_mem>>) src(%dma_wait3A_599 : memref<128x128xf32, #tpu.memory_space<hbm>>) dst(%arg14 : memref<128x128xf32, #tpu.memory_space<vmem>>)
        %mul3A_600 = arith.constant 128 : i32
        %mul3A_601 = arith.muli %add3A_584, %mul3A_600 : i32
        %add3A_602 = arith.addi %mul3A_2, %mul3A_601 : i32
        %dma_start3A_603 = arith.constant 0 : i32
        %dma_start3A_604 = tpu.memref_slice %arg3[%add3A_602, %dma_start3A_603] : memref<65536x128xf32, #tpu.memory_space<hbm>> -> memref<128x128xf32, #tpu.memory_space<hbm>>
        %dma_start3A_605 = arith.constant 0 : i32
        %dma_start3A_606 = tpu.memref_slice %arg3[%add3A_602, %dma_start3A_605] : memref<65536x128xf32, #tpu.memory_space<hbm>> -> memref<128x128xf32, #tpu.memory_space<hbm>>
        tpu.enqueue_dma source(%dma_start3A_606 : memref<128x128xf32, #tpu.memory_space<hbm>>) target(%arg14 : memref<128x128xf32, #tpu.memory_space<vmem>>) target_semaphore(%arg25 : memref<!tpu.dma_semaphore, #tpu.memory_space<semaphore_mem>>)
        %mul3A_607 = arith.constant 2 : i32
        %mul3A_608 = arith.muli %mul3A_607, %scan3A_116 : i32
        %add3A_609 = arith.constant 2 : i32
        %add3A_610 = arith.addi %mul3A_608, %add3A_609 : i32
        %add3A_611 = arith.constant 1 : i32
        %add3A_612 = arith.addi %add3A_610, %add3A_611 : i32
        %dma_wait3A_613 = arith.constant 0 : i32
        %dma_wait3A_614 = tpu.memref_slice %arg2[%mul3A_2, %dma_wait3A_613] : memref<65536x128xf32, #tpu.memory_space<hbm>> -> memref<128x128xf32, #tpu.memory_space<hbm>>
        %dma_wait3A_615 = arith.constant 0 : i32
        %dma_wait3A_616 = tpu.memref_slice %arg2[%mul3A_2, %dma_wait3A_615] : memref<65536x128xf32, #tpu.memory_space<hbm>> -> memref<128x128xf32, #tpu.memory_space<hbm>>
        tpu.wait_dma2 semaphore(%arg28 : memref<!tpu.dma_semaphore, #tpu.memory_space<semaphore_mem>>) src(%dma_wait3A_616 : memref<128x128xf32, #tpu.memory_space<hbm>>) dst(%arg13 : memref<128x128xf32, #tpu.memory_space<vmem>>)
        %mul3A_617 = arith.constant 128 : i32
        %mul3A_618 = arith.muli %add3A_612, %mul3A_617 : i32
        %add3A_619 = arith.addi %mul3A_2, %mul3A_618 : i32
        %dma_start3A_620 = arith.constant 0 : i32
        %dma_start3A_621 = tpu.memref_slice %arg2[%add3A_619, %dma_start3A_620] : memref<65536x128xf32, #tpu.memory_space<hbm>> -> memref<128x128xf32, #tpu.memory_space<hbm>>
        %dma_start3A_622 = arith.constant 0 : i32
        %dma_start3A_623 = tpu.memref_slice %arg2[%add3A_619, %dma_start3A_622] : memref<65536x128xf32, #tpu.memory_space<hbm>> -> memref<128x128xf32, #tpu.memory_space<hbm>>
        tpu.enqueue_dma source(%dma_start3A_623 : memref<128x128xf32, #tpu.memory_space<hbm>>) target(%arg13 : memref<128x128xf32, #tpu.memory_space<vmem>>) target_semaphore(%arg24 : memref<!tpu.dma_semaphore, #tpu.memory_space<semaphore_mem>>)
        %dma_wait3A_624 = arith.constant 0 : i32
        %dma_wait3A_625 = tpu.memref_slice %arg3[%mul3A_2, %dma_wait3A_624] : memref<65536x128xf32, #tpu.memory_space<hbm>> -> memref<128x128xf32, #tpu.memory_space<hbm>>
        %dma_wait3A_626 = arith.constant 0 : i32
        %dma_wait3A_627 = tpu.memref_slice %arg3[%mul3A_2, %dma_wait3A_626] : memref<65536x128xf32, #tpu.memory_space<hbm>> -> memref<128x128xf32, #tpu.memory_space<hbm>>
        tpu.wait_dma2 semaphore(%arg30 : memref<!tpu.dma_semaphore, #tpu.memory_space<semaphore_mem>>) src(%dma_wait3A_627 : memref<128x128xf32, #tpu.memory_space<hbm>>) dst(%arg15 : memref<128x128xf32, #tpu.memory_space<vmem>>)
        %mul3A_628 = arith.constant 128 : i32
        %mul3A_629 = arith.muli %add3A_612, %mul3A_628 : i32
        %add3A_630 = arith.addi %mul3A_2, %mul3A_629 : i32
        %dma_start3A_631 = arith.constant 0 : i32
        %dma_start3A_632 = tpu.memref_slice %arg3[%add3A_630, %dma_start3A_631] : memref<65536x128xf32, #tpu.memory_space<hbm>> -> memref<128x128xf32, #tpu.memory_space<hbm>>
        %dma_start3A_633 = arith.constant 0 : i32
        %dma_start3A_634 = tpu.memref_slice %arg3[%add3A_630, %dma_start3A_633] : memref<65536x128xf32, #tpu.memory_space<hbm>> -> memref<128x128xf32, #tpu.memory_space<hbm>>
        tpu.enqueue_dma source(%dma_start3A_634 : memref<128x128xf32, #tpu.memory_space<hbm>>) target(%arg15 : memref<128x128xf32, #tpu.memory_space<vmem>>) target_semaphore(%arg26 : memref<!tpu.dma_semaphore, #tpu.memory_space<semaphore_mem>>)
      } else {
      }
    }
    %scan3A_98 = arith.constant 8 : i32
    %dma_wait3A = arith.constant 0 : i32
    %dma_wait3A_99 = tpu.memref_slice %arg2[%mul3A_2, %dma_wait3A] : memref<65536x128xf32, #tpu.memory_space<hbm>> -> memref<128x128xf32, #tpu.memory_space<hbm>>
    %dma_wait3A_100 = arith.constant 0 : i32
    %dma_wait3A_101 = tpu.memref_slice %arg2[%mul3A_2, %dma_wait3A_100] : memref<65536x128xf32, #tpu.memory_space<hbm>> -> memref<128x128xf32, #tpu.memory_space<hbm>>
    tpu.wait_dma2 semaphore(%arg27 : memref<!tpu.dma_semaphore, #tpu.memory_space<semaphore_mem>>) src(%dma_wait3A_101 : memref<128x128xf32, #tpu.memory_space<hbm>>) dst(%arg12 : memref<128x128xf32, #tpu.memory_space<vmem>>)
    %dma_wait3A_102 = arith.constant 0 : i32
    %dma_wait3A_103 = tpu.memref_slice %arg2[%mul3A_2, %dma_wait3A_102] : memref<65536x128xf32, #tpu.memory_space<hbm>> -> memref<128x128xf32, #tpu.memory_space<hbm>>
    %dma_wait3A_104 = arith.constant 0 : i32
    %dma_wait3A_105 = tpu.memref_slice %arg2[%mul3A_2, %dma_wait3A_104] : memref<65536x128xf32, #tpu.memory_space<hbm>> -> memref<128x128xf32, #tpu.memory_space<hbm>>
    tpu.wait_dma2 semaphore(%arg28 : memref<!tpu.dma_semaphore, #tpu.memory_space<semaphore_mem>>) src(%dma_wait3A_105 : memref<128x128xf32, #tpu.memory_space<hbm>>) dst(%arg13 : memref<128x128xf32, #tpu.memory_space<vmem>>)
    %dma_wait3A_106 = arith.constant 0 : i32
    %dma_wait3A_107 = tpu.memref_slice %arg3[%mul3A_2, %dma_wait3A_106] : memref<65536x128xf32, #tpu.memory_space<hbm>> -> memref<128x128xf32, #tpu.memory_space<hbm>>
    %dma_wait3A_108 = arith.constant 0 : i32
    %dma_wait3A_109 = tpu.memref_slice %arg3[%mul3A_2, %dma_wait3A_108] : memref<65536x128xf32, #tpu.memory_space<hbm>> -> memref<128x128xf32, #tpu.memory_space<hbm>>
    tpu.wait_dma2 semaphore(%arg29 : memref<!tpu.dma_semaphore, #tpu.memory_space<semaphore_mem>>) src(%dma_wait3A_109 : memref<128x128xf32, #tpu.memory_space<hbm>>) dst(%arg14 : memref<128x128xf32, #tpu.memory_space<vmem>>)
    %dma_wait3A_110 = arith.constant 0 : i32
    %dma_wait3A_111 = tpu.memref_slice %arg3[%mul3A_2, %dma_wait3A_110] : memref<65536x128xf32, #tpu.memory_space<hbm>> -> memref<128x128xf32, #tpu.memory_space<hbm>>
    %dma_wait3A_112 = arith.constant 0 : i32
    %dma_wait3A_113 = tpu.memref_slice %arg3[%mul3A_2, %dma_wait3A_112] : memref<65536x128xf32, #tpu.memory_space<hbm>> -> memref<128x128xf32, #tpu.memory_space<hbm>>
    tpu.wait_dma2 semaphore(%arg30 : memref<!tpu.dma_semaphore, #tpu.memory_space<semaphore_mem>>) src(%dma_wait3A_113 : memref<128x128xf32, #tpu.memory_space<hbm>>) dst(%arg15 : memref<128x128xf32, #tpu.memory_space<vmem>>)
    %run_scoped3A = arith.constant 0 : i32
    "tpu.region"() ({
      %run_scoped3A_116 = tpu.sem_alloc : memref<!tpu.dma_semaphore, #tpu.memory_space<semaphore_mem>>
      %dma_start3A_117 = arith.constant 0 : i32
      %dma_start3A_118 = tpu.memref_slice %arg18[%run_scoped3A, %dma_start3A_117] : memref<1x128xi32, #tpu.memory_space<vmem>> -> memref<1x128xi32, #tpu.memory_space<vmem>>
      %dma_start3A_119 = tpu.memref_squeeze %dma_start3A_118 : memref<1x128xi32, #tpu.memory_space<vmem>> -> memref<128xi32, #tpu.memory_space<vmem>>
      %dma_start3A_120 = arith.constant 0 : i32
      %dma_start3A_121 = arith.constant 0 : i32
      %dma_start3A_122 = tpu.memref_slice %arg21[%dma_start3A_120, %dma_start3A_121] : memref<128x128xf32, #tpu.memory_space<vmem_shared>> -> memref<128x128xf32, #tpu.memory_space<vmem_shared>>
      tpu.enqueue_indirect_dma source(%arg16 : memref<128x128xf32, #tpu.memory_space<vmem>>) target(%dma_start3A_122 : memref<128x128xf32, #tpu.memory_space<vmem_shared>>) offsets(%dma_start3A_119 : memref<128xi32, #tpu.memory_space<vmem>>) semaphore(%run_scoped3A_116 : memref<!tpu.dma_semaphore, #tpu.memory_space<semaphore_mem>>) {add = true}
      %dma_wait3A_123 = arith.constant 0 : i32
      %dma_wait3A_124 = tpu.memref_slice %arg18[%run_scoped3A, %dma_wait3A_123] : memref<1x128xi32, #tpu.memory_space<vmem>> -> memref<1x128xi32, #tpu.memory_space<vmem>>
      %dma_wait3A_125 = tpu.memref_squeeze %dma_wait3A_124 : memref<1x128xi32, #tpu.memory_space<vmem>> -> memref<128xi32, #tpu.memory_space<vmem>>
      %dma_wait3A_126 = arith.constant 0 : i32
      %dma_wait3A_127 = arith.constant 0 : i32
      %dma_wait3A_128 = tpu.memref_slice %arg21[%dma_wait3A_126, %dma_wait3A_127] : memref<128x128xf32, #tpu.memory_space<vmem_shared>> -> memref<128x128xf32, #tpu.memory_space<vmem_shared>>
      tpu.wait_indirect_dma semaphore(%run_scoped3A_116 : memref<!tpu.dma_semaphore, #tpu.memory_space<semaphore_mem>>) src(%arg16 : memref<128x128xf32, #tpu.memory_space<vmem>>) dst(%dma_wait3A_128 : memref<128x128xf32, #tpu.memory_space<vmem_shared>>)
      tpu.yield
    }) : () -> ()
    %run_scoped3A_114 = arith.constant 0 : i32
    "tpu.region"() ({
      %run_scoped3A_116 = tpu.sem_alloc : memref<!tpu.dma_semaphore, #tpu.memory_space<semaphore_mem>>
      %dma_start3A_117 = arith.constant 0 : i32
      %dma_start3A_118 = tpu.memref_slice %arg18[%run_scoped3A_114, %dma_start3A_117] : memref<1x128xi32, #tpu.memory_space<vmem>> -> memref<1x128xi32, #tpu.memory_space<vmem>>
      %dma_start3A_119 = tpu.memref_squeeze %dma_start3A_118 : memref<1x128xi32, #tpu.memory_space<vmem>> -> memref<128xi32, #tpu.memory_space<vmem>>
      %dma_start3A_120 = arith.constant 0 : i32
      %dma_start3A_121 = arith.constant 0 : i32
      %dma_start3A_122 = tpu.memref_slice %arg22[%dma_start3A_120, %dma_start3A_121] : memref<128x128xf32, #tpu.memory_space<vmem_shared>> -> memref<128x128xf32, #tpu.memory_space<vmem_shared>>
      tpu.enqueue_indirect_dma source(%arg17 : memref<128x128xf32, #tpu.memory_space<vmem>>) target(%dma_start3A_122 : memref<128x128xf32, #tpu.memory_space<vmem_shared>>) offsets(%dma_start3A_119 : memref<128xi32, #tpu.memory_space<vmem>>) semaphore(%run_scoped3A_116 : memref<!tpu.dma_semaphore, #tpu.memory_space<semaphore_mem>>) {add = true}
      %dma_wait3A_123 = arith.constant 0 : i32
      %dma_wait3A_124 = tpu.memref_slice %arg18[%run_scoped3A_114, %dma_wait3A_123] : memref<1x128xi32, #tpu.memory_space<vmem>> -> memref<1x128xi32, #tpu.memory_space<vmem>>
      %dma_wait3A_125 = tpu.memref_squeeze %dma_wait3A_124 : memref<1x128xi32, #tpu.memory_space<vmem>> -> memref<128xi32, #tpu.memory_space<vmem>>
      %dma_wait3A_126 = arith.constant 0 : i32
      %dma_wait3A_127 = arith.constant 0 : i32
      %dma_wait3A_128 = tpu.memref_slice %arg22[%dma_wait3A_126, %dma_wait3A_127] : memref<128x128xf32, #tpu.memory_space<vmem_shared>> -> memref<128x128xf32, #tpu.memory_space<vmem_shared>>
      tpu.wait_indirect_dma semaphore(%run_scoped3A_116 : memref<!tpu.dma_semaphore, #tpu.memory_space<semaphore_mem>>) src(%arg17 : memref<128x128xf32, #tpu.memory_space<vmem>>) dst(%dma_wait3A_128 : memref<128x128xf32, #tpu.memory_space<vmem_shared>>)
      tpu.yield
    }) : () -> ()
    %barrier3A_115 = arith.constant 0 : index
    tpu.barrier barrier_id(%barrier3A_115)
    "tpu.region"() ({
      %run_scoped3A_116 = tpu.sem_alloc : memref<!tpu.dma_semaphore, #tpu.memory_space<semaphore_mem>>
      %dma_start3A_117 = arith.constant 0 : i32
      %dma_start3A_118 = tpu.memref_slice %arg6[%arg0, %mul3A_84, %dma_start3A_117] : memref<2x1024x128xf32, #tpu.memory_space<hbm>> -> memref<1x64x128xf32, #tpu.memory_space<hbm>>
      %dma_start3A_119 = tpu.memref_squeeze %dma_start3A_118 : memref<1x64x128xf32, #tpu.memory_space<hbm>> -> memref<64x128xf32, #tpu.memory_space<hbm>>
      %dma_start3A_120 = arith.constant 0 : i32
      %dma_start3A_121 = tpu.memref_slice %arg19[%mul3A_84, %dma_start3A_120] : memref<1024x128xf32, #tpu.memory_space<vmem_shared>> -> memref<64x128xf32, #tpu.memory_space<vmem_shared>>
      tpu.enqueue_dma source(%dma_start3A_121 : memref<64x128xf32, #tpu.memory_space<vmem_shared>>) target(%dma_start3A_119 : memref<64x128xf32, #tpu.memory_space<hbm>>) target_semaphore(%run_scoped3A_116 : memref<!tpu.dma_semaphore, #tpu.memory_space<semaphore_mem>>)
      %dma_wait3A_122 = arith.constant 0 : i32
      %dma_wait3A_123 = tpu.memref_slice %arg6[%arg0, %mul3A_84, %dma_wait3A_122] : memref<2x1024x128xf32, #tpu.memory_space<hbm>> -> memref<1x64x128xf32, #tpu.memory_space<hbm>>
      %dma_wait3A_124 = tpu.memref_squeeze %dma_wait3A_123 : memref<1x64x128xf32, #tpu.memory_space<hbm>> -> memref<64x128xf32, #tpu.memory_space<hbm>>
      %dma_wait3A_125 = arith.constant 0 : i32
      %dma_wait3A_126 = tpu.memref_slice %arg19[%mul3A_84, %dma_wait3A_125] : memref<1024x128xf32, #tpu.memory_space<vmem_shared>> -> memref<64x128xf32, #tpu.memory_space<vmem_shared>>
      tpu.wait_dma2 semaphore(%run_scoped3A_116 : memref<!tpu.dma_semaphore, #tpu.memory_space<semaphore_mem>>) src(%dma_wait3A_126 : memref<64x128xf32, #tpu.memory_space<vmem_shared>>) dst(%dma_wait3A_124 : memref<64x128xf32, #tpu.memory_space<hbm>>)
      tpu.yield
    }) : () -> ()
    "tpu.region"() ({
      %run_scoped3A_116 = tpu.sem_alloc : memref<!tpu.dma_semaphore, #tpu.memory_space<semaphore_mem>>
      %dma_start3A_117 = arith.constant 0 : i32
      %dma_start3A_118 = tpu.memref_slice %arg7[%arg0, %mul3A_84, %dma_start3A_117] : memref<2x1024x128xf32, #tpu.memory_space<hbm>> -> memref<1x64x128xf32, #tpu.memory_space<hbm>>
      %dma_start3A_119 = tpu.memref_squeeze %dma_start3A_118 : memref<1x64x128xf32, #tpu.memory_space<hbm>> -> memref<64x128xf32, #tpu.memory_space<hbm>>
      %dma_start3A_120 = arith.constant 0 : i32
      %dma_start3A_121 = tpu.memref_slice %arg20[%mul3A_84, %dma_start3A_120] : memref<1024x128xf32, #tpu.memory_space<vmem_shared>> -> memref<64x128xf32, #tpu.memory_space<vmem_shared>>
      tpu.enqueue_dma source(%dma_start3A_121 : memref<64x128xf32, #tpu.memory_space<vmem_shared>>) target(%dma_start3A_119 : memref<64x128xf32, #tpu.memory_space<hbm>>) target_semaphore(%run_scoped3A_116 : memref<!tpu.dma_semaphore, #tpu.memory_space<semaphore_mem>>)
      %dma_wait3A_122 = arith.constant 0 : i32
      %dma_wait3A_123 = tpu.memref_slice %arg7[%arg0, %mul3A_84, %dma_wait3A_122] : memref<2x1024x128xf32, #tpu.memory_space<hbm>> -> memref<1x64x128xf32, #tpu.memory_space<hbm>>
      %dma_wait3A_124 = tpu.memref_squeeze %dma_wait3A_123 : memref<1x64x128xf32, #tpu.memory_space<hbm>> -> memref<64x128xf32, #tpu.memory_space<hbm>>
      %dma_wait3A_125 = arith.constant 0 : i32
      %dma_wait3A_126 = tpu.memref_slice %arg20[%mul3A_84, %dma_wait3A_125] : memref<1024x128xf32, #tpu.memory_space<vmem_shared>> -> memref<64x128xf32, #tpu.memory_space<vmem_shared>>
      tpu.wait_dma2 semaphore(%run_scoped3A_116 : memref<!tpu.dma_semaphore, #tpu.memory_space<semaphore_mem>>) src(%dma_wait3A_126 : memref<64x128xf32, #tpu.memory_space<vmem_shared>>) dst(%dma_wait3A_124 : memref<64x128xf32, #tpu.memory_space<hbm>>)
      tpu.yield
    }) : () -> ()
    "tpu.region"() ({
      %run_scoped3A_116 = tpu.sem_alloc : memref<!tpu.dma_semaphore, #tpu.memory_space<semaphore_mem>>
      %dma_start3A_117 = arith.constant 0 : i32
      %dma_start3A_118 = tpu.memref_slice %arg8[%arg0, %mul3A_86, %dma_start3A_117] : memref<2x128x128xf32, #tpu.memory_space<hbm>> -> memref<1x8x128xf32, #tpu.memory_space<hbm>>
      %dma_start3A_119 = tpu.memref_squeeze %dma_start3A_118 : memref<1x8x128xf32, #tpu.memory_space<hbm>> -> memref<8x128xf32, #tpu.memory_space<hbm>>
      %dma_start3A_120 = arith.constant 0 : i32
      %dma_start3A_121 = tpu.memref_slice %arg21[%mul3A_86, %dma_start3A_120] : memref<128x128xf32, #tpu.memory_space<vmem_shared>> -> memref<8x128xf32, #tpu.memory_space<vmem_shared>>
      tpu.enqueue_dma source(%dma_start3A_121 : memref<8x128xf32, #tpu.memory_space<vmem_shared>>) target(%dma_start3A_119 : memref<8x128xf32, #tpu.memory_space<hbm>>) target_semaphore(%run_scoped3A_116 : memref<!tpu.dma_semaphore, #tpu.memory_space<semaphore_mem>>)
      %dma_wait3A_122 = arith.constant 0 : i32
      %dma_wait3A_123 = tpu.memref_slice %arg8[%arg0, %mul3A_86, %dma_wait3A_122] : memref<2x128x128xf32, #tpu.memory_space<hbm>> -> memref<1x8x128xf32, #tpu.memory_space<hbm>>
      %dma_wait3A_124 = tpu.memref_squeeze %dma_wait3A_123 : memref<1x8x128xf32, #tpu.memory_space<hbm>> -> memref<8x128xf32, #tpu.memory_space<hbm>>
      %dma_wait3A_125 = arith.constant 0 : i32
      %dma_wait3A_126 = tpu.memref_slice %arg21[%mul3A_86, %dma_wait3A_125] : memref<128x128xf32, #tpu.memory_space<vmem_shared>> -> memref<8x128xf32, #tpu.memory_space<vmem_shared>>
      tpu.wait_dma2 semaphore(%run_scoped3A_116 : memref<!tpu.dma_semaphore, #tpu.memory_space<semaphore_mem>>) src(%dma_wait3A_126 : memref<8x128xf32, #tpu.memory_space<vmem_shared>>) dst(%dma_wait3A_124 : memref<8x128xf32, #tpu.memory_space<hbm>>)
      tpu.yield
    }) : () -> ()
    "tpu.region"() ({
      %run_scoped3A_116 = tpu.sem_alloc : memref<!tpu.dma_semaphore, #tpu.memory_space<semaphore_mem>>
      %dma_start3A_117 = arith.constant 0 : i32
      %dma_start3A_118 = tpu.memref_slice %arg9[%arg0, %mul3A_86, %dma_start3A_117] : memref<2x128x128xf32, #tpu.memory_space<hbm>> -> memref<1x8x128xf32, #tpu.memory_space<hbm>>
      %dma_start3A_119 = tpu.memref_squeeze %dma_start3A_118 : memref<1x8x128xf32, #tpu.memory_space<hbm>> -> memref<8x128xf32, #tpu.memory_space<hbm>>
      %dma_start3A_120 = arith.constant 0 : i32
      %dma_start3A_121 = tpu.memref_slice %arg22[%mul3A_86, %dma_start3A_120] : memref<128x128xf32, #tpu.memory_space<vmem_shared>> -> memref<8x128xf32, #tpu.memory_space<vmem_shared>>
      tpu.enqueue_dma source(%dma_start3A_121 : memref<8x128xf32, #tpu.memory_space<vmem_shared>>) target(%dma_start3A_119 : memref<8x128xf32, #tpu.memory_space<hbm>>) target_semaphore(%run_scoped3A_116 : memref<!tpu.dma_semaphore, #tpu.memory_space<semaphore_mem>>)
      %dma_wait3A_122 = arith.constant 0 : i32
      %dma_wait3A_123 = tpu.memref_slice %arg9[%arg0, %mul3A_86, %dma_wait3A_122] : memref<2x128x128xf32, #tpu.memory_space<hbm>> -> memref<1x8x128xf32, #tpu.memory_space<hbm>>
      %dma_wait3A_124 = tpu.memref_squeeze %dma_wait3A_123 : memref<1x8x128xf32, #tpu.memory_space<hbm>> -> memref<8x128xf32, #tpu.memory_space<hbm>>
      %dma_wait3A_125 = arith.constant 0 : i32
      %dma_wait3A_126 = tpu.memref_slice %arg22[%mul3A_86, %dma_wait3A_125] : memref<128x128xf32, #tpu.memory_space<vmem_shared>> -> memref<8x128xf32, #tpu.memory_space<vmem_shared>>
      tpu.wait_dma2 semaphore(%run_scoped3A_116 : memref<!tpu.dma_semaphore, #tpu.memory_space<semaphore_mem>>) src(%dma_wait3A_126 : memref<8x128xf32, #tpu.memory_space<vmem_shared>>) dst(%dma_wait3A_124 : memref<8x128xf32, #tpu.memory_space<hbm>>)
      tpu.yield
    }) : () -> ()
    return
  }
}

module attributes {stable_mosaic.version = 14 : i64} {
  func.func @body(%arg0: memref<2x1024x128xf32, #tpu.memory_space<vmem>>, %arg1: memref<2x1024x128xf32, #tpu.memory_space<vmem>>, %arg2: memref<2x128x128xf32, #tpu.memory_space<vmem>>, %arg3: memref<2x128x128xf32, #tpu.memory_space<vmem>>, %arg4: memref<1x1xf32, #tpu.memory_space<smem>>) attributes {dimension_semantics = [], scalar_prefetch = 0 : i64, scratch_operands = 0 : i64, tpu.core_type = #tpu.core_type<tc>} {
    %get3A = arith.constant 0 : index
    %get3A_0 = arith.constant 0 : index
    %get3A_1 = arith.constant 0 : index
    %get3A_2 = vector.load %arg0[%get3A, %get3A_0, %get3A_1] : memref<2x1024x128xf32, #tpu.memory_space<vmem>>, vector<1x1024x128xf32>
    %get3A_3 = vector.shape_cast %get3A_2 : vector<1x1024x128xf32> to vector<1024x128xf32>
    %get3A_4 = arith.constant 1 : index
    %get3A_5 = arith.constant 0 : index
    %get3A_6 = arith.constant 0 : index
    %get3A_7 = vector.load %arg0[%get3A_4, %get3A_5, %get3A_6] : memref<2x1024x128xf32, #tpu.memory_space<vmem>>, vector<1x1024x128xf32>
    %get3A_8 = vector.shape_cast %get3A_7 : vector<1x1024x128xf32> to vector<1024x128xf32>
    %add3A = arith.addf %get3A_3, %get3A_8 : vector<1024x128xf32>
    %get3A_9 = arith.constant 0 : index
    %get3A_10 = arith.constant 0 : index
    %get3A_11 = arith.constant 0 : index
    %get3A_12 = vector.load %arg1[%get3A_9, %get3A_10, %get3A_11] : memref<2x1024x128xf32, #tpu.memory_space<vmem>>, vector<1x1024x128xf32>
    %get3A_13 = vector.shape_cast %get3A_12 : vector<1x1024x128xf32> to vector<1024x128xf32>
    %get3A_14 = arith.constant 1 : index
    %get3A_15 = arith.constant 0 : index
    %get3A_16 = arith.constant 0 : index
    %get3A_17 = vector.load %arg1[%get3A_14, %get3A_15, %get3A_16] : memref<2x1024x128xf32, #tpu.memory_space<vmem>>, vector<1x1024x128xf32>
    %get3A_18 = vector.shape_cast %get3A_17 : vector<1x1024x128xf32> to vector<1024x128xf32>
    %add3A_19 = arith.addf %get3A_13, %get3A_18 : vector<1024x128xf32>
    %get3A_20 = arith.constant 0 : index
    %get3A_21 = arith.constant 0 : index
    %get3A_22 = arith.constant 0 : index
    %get3A_23 = vector.load %arg2[%get3A_20, %get3A_21, %get3A_22] : memref<2x128x128xf32, #tpu.memory_space<vmem>>, vector<1x128x128xf32>
    %get3A_24 = vector.shape_cast %get3A_23 : vector<1x128x128xf32> to vector<128x128xf32>
    %get3A_25 = arith.constant 1 : index
    %get3A_26 = arith.constant 0 : index
    %get3A_27 = arith.constant 0 : index
    %get3A_28 = vector.load %arg2[%get3A_25, %get3A_26, %get3A_27] : memref<2x128x128xf32, #tpu.memory_space<vmem>>, vector<1x128x128xf32>
    %get3A_29 = vector.shape_cast %get3A_28 : vector<1x128x128xf32> to vector<128x128xf32>
    %add3A_30 = arith.addf %get3A_24, %get3A_29 : vector<128x128xf32>
    %reshape3A = vector.shape_cast %add3A_30 : vector<128x128xf32> to vector<128x8x16xf32>
    %reduce_sum3A = arith.constant dense<0.000000e+00> : vector<128x8xf32>
    %reduce_sum3A_31 = vector.multi_reduction <add>, %reshape3A, %reduce_sum3A [2] : vector<128x8x16xf32> to vector<128x8xf32>
    %reshape3A_32 = vector.shape_cast %reduce_sum3A_31 : vector<128x8xf32> to vector<1024x1xf32>
    %max3A = arith.constant 1.000000e+00 : f32
    %max3A_33 = vector.broadcast %max3A : f32 to vector<1024x1xf32>
    %max3A_34 = arith.maximumf %reshape3A_32, %max3A_33 : vector<1024x1xf32>
    %get3A_35 = arith.constant 0 : index
    %get3A_36 = arith.constant 0 : index
    %get3A_37 = arith.constant 0 : index
    %get3A_38 = vector.load %arg3[%get3A_35, %get3A_36, %get3A_37] : memref<2x128x128xf32, #tpu.memory_space<vmem>>, vector<1x128x128xf32>
    %get3A_39 = vector.shape_cast %get3A_38 : vector<1x128x128xf32> to vector<128x128xf32>
    %get3A_40 = arith.constant 1 : index
    %get3A_41 = arith.constant 0 : index
    %get3A_42 = arith.constant 0 : index
    %get3A_43 = vector.load %arg3[%get3A_40, %get3A_41, %get3A_42] : memref<2x128x128xf32, #tpu.memory_space<vmem>>, vector<1x128x128xf32>
    %get3A_44 = vector.shape_cast %get3A_43 : vector<1x128x128xf32> to vector<128x128xf32>
    %add3A_45 = arith.addf %get3A_39, %get3A_44 : vector<128x128xf32>
    %reshape3A_46 = vector.shape_cast %add3A_45 : vector<128x128xf32> to vector<128x8x16xf32>
    %reduce_sum3A_47 = arith.constant dense<0.000000e+00> : vector<128x8xf32>
    %reduce_sum3A_48 = vector.multi_reduction <add>, %reshape3A_46, %reduce_sum3A_47 [2] : vector<128x8x16xf32> to vector<128x8xf32>
    %reshape3A_49 = vector.shape_cast %reduce_sum3A_48 : vector<128x8xf32> to vector<1024x1xf32>
    %max3A_50 = arith.constant 1.000000e+00 : f32
    %max3A_51 = vector.broadcast %max3A_50 : f32 to vector<1024x1xf32>
    %max3A_52 = arith.maximumf %reshape3A_49, %max3A_51 : vector<1024x1xf32>
    %div3A = vector.broadcast %max3A_34 : vector<1024x1xf32> to vector<1024x128xf32>
    %div3A_53 = arith.divf %add3A, %div3A : vector<1024x128xf32>
    %div3A_54 = vector.broadcast %max3A_52 : vector<1024x1xf32> to vector<1024x128xf32>
    %div3A_55 = arith.divf %add3A_19, %div3A_54 : vector<1024x128xf32>
    %sub3A = arith.subf %div3A_53, %div3A_55 : vector<1024x128xf32>
    %mul3A = arith.mulf %sub3A, %sub3A : vector<1024x128xf32>
    %reduce_sum3A_56 = vector.shape_cast %mul3A : vector<1024x128xf32> to vector<1x1024x128xf32>
    %reduce_sum3A_57 = arith.constant dense<0.000000e+00> : vector<1xf32>
    %reduce_sum3A_58 = vector.multi_reduction <add>, %reduce_sum3A_56, %reduce_sum3A_57 [1, 2] : vector<1x1024x128xf32> to vector<1xf32>
    %reduce_sum3A_59 = vector.shape_cast %reduce_sum3A_58 : vector<1xf32> to vector<1x1x1xf32>
    %reduce_sum3A_60 = vector.extract %reduce_sum3A_59[0, 0, 0] : f32 from vector<1x1x1xf32>
    %mul3A_61 = arith.constant 7.031250e-07 : f32
    %mul3A_62 = arith.mulf %reduce_sum3A_60, %mul3A_61 : f32
    %swap3A = arith.constant 0 : index
    %swap3A_63 = arith.constant 0 : index
    %swap3A_64 = memref.load %arg4[%swap3A, %swap3A_63] : memref<1x1xf32, #tpu.memory_space<smem>>
    memref.store %mul3A_62, %arg4[%swap3A, %swap3A_63] : memref<1x1xf32, #tpu.memory_space<smem>>
    return
  }
}

</mosaic_0001>

<sc_bundles>
// kernel: kernel.4.cloned.1.call-start
scs
__scs_entry_jumppad:
0x0: {  	(pc) =	sbr.rel $0x88, $3  }
0x1: {  	(tag) =	ssettag $0x0;
	lr =	simm.s32 $0x1  }
0x2: {  	[smem:$0x3F9D] =	sst lr;
	_ =	strace $0xD0000000  }
0x3: {  	_ = 	snop  }
0x4: {  	_ = 	snop  }
0x5: {  	_ = 	snop  }
0x6: {  	_ = 	snop  }
0x7: {  	_ = 	snop  }
__scs_overlays_trampoline_lowered:
0x8: {  	[smem:$0x3FAC] =	sst s0  }
0x9: {  	[smem:$0x3FAD] =	sst s1  }
0xa: {  	[smem:$0x3FAE] =	sst s2  }
0xb: {  	[smem:$0x3FAF] =	sst s3  }
0xc: {  	[smem:$0x3FB0] =	sst s4  }
0xd: {  	[smem:$0x3FB1] =	sst s5  }
0xe: {  	[smem:$0x3FB2] =	sst s6  }
0xf: {  	[smem:$0x3FB3] =	sst s7  }
0x10: {  	[smem:$0x3FB4] =	sst s8  }
0x11: {  	[smem:$0x3FB5] =	sst s9;
	s0 =	simm.s32 @!p0 $0x0  }
0x12: {  	s1 =	sld [smem:$0x3F9B];
	s0 =	simm.s32 @p0 $0x1  }
0x13: {  	[smem:$0x3FB6] =	sst s0;
	s0 =	simm.s32 @!p1 $0x0  }
0x14: {  	s2 =	sld [smem:$0x3F9A];
	s0 =	simm.s32 @p1 $0x1  }
0x15: {  	[smem:$0x3FB7] =	sst s0;
	s0 =	simm.s32 @!p2 $0x0  }
0x16: {  	s3 =	sld [smem:$0x3FDB];
	s0 =	simm.s32 @p2 $0x1  }
0x17: {  	s4 =	simm.s32 $0x1BF5;
	[smem:$0x3FB9] =	sst s0  }
0x18: {  	s0 =	sld [smem:$0x3F9C];
	_ =	swait.ge [sflag:s4], $0x0  }
0x19: {  	s7 =	sld [smem:$0x3F9D]  }
0x1a: {  	s8 =	sadd.s32 $0xFFFFE003, lr  }
0x1b: {  	s9 =	sadd.s32 $0xFFFFFEF7, lr;
	s5 =	simm.s32 $0xFFFFFFFF;
	p2 =	slt.u32 s8, $0xFFFFF086  }
0x1c: {  	p1 =	slt.u32 s9, $0xF7A;
	s5 =	simm.s32 @!p2 $0x0  }
0x1d: {  	s5 =	simm.s32 @p1 $0x1;
	p0 =	seq.s32 s7, s2  }
0x1e: {  	s7 =	smul.u32 @!p0 $0xF7A, s2;
	p2 =	seq.s32 @!p0 s5, $0x0  }
0x1f: {  	s9 =	smul.u32 $0xF7A, s1;
	s8 =	simm.s32 @!p0 $0x1BF5;
	p2 =	por !p2, p0  }
0x20: {  	[sflag:s8] =	ssyncset.s32 @!p0 $0xFFFFF086;
	s6 =	sadd.s32 @!p0 s3, s7;
	s7 =	simm.s32 @!p0 $0x108  }
0x21: {  	s3 =	sadd.s32 s3, s9;
	s6 =	sadd.s32 @!p0 $0x88, s6;
	s7 =	simm.s32 @p2 $0x1082  }
0x22: {  	[simem:s7], [sflag:s8] =	dma.local @!p0 [hbm:s6], $0xF7A  }
0x23: {  	s9 =	sor.u32 $0xD0000000, s2;
	s6 =	simm.s32 $0x108;
	_ =	swait.ge @!p0 [sflag:s8], $0x0  }
0x24: {  	s3 =	sadd.s32 $0x88, s3;
	s6 =	simm.s32 @!p1 $0x1082;
	[sflag:s4] =	ssyncset.s32 $0xFFFFF086  }
0x25: {  	[simem:s6], [sflag:s4] =	dma.local [hbm:s3], $0xF7A  }
0x26: {  	[smem:$0x3F9D] =	sst s1;
	(tag) =	ssettag s2;
	_ =	strace s9  }
0x27: {  	s1 =	sld [smem:$0x3FAD]  }
0x28: {  	s2 =	sld [smem:$0x3FAE]  }
0x29: {  	s4 =	sld [smem:$0x3FB0]  }
0x2a: {  	p0 =	seq.s32 s5, $0x0;
	s5 =	sld [smem:$0x3FB1]  }
0x2b: {  	s6 =	sld [smem:$0x3FB2]  }
0x2c: {  	s7 =	sld [smem:$0x3FB3]  }
0x2d: {  	s3 =	simm.s32 $0x108;
	s8 =	sld [smem:$0x3FB4]  }
0x2e: {  	s3 =	simm.s32 @!p0 $0x1082;
	s9 =	sld [smem:$0x3FB5]  }
0x2f: {  	lr =	sadd.s32 s0, s3;
	s0 =	sld [smem:$0x3FAC]  }
0x30: {  	s3 =	sld [smem:$0x3FAF]  }
0x31: {  	[smem:$0x3FB8] =	sst s10  }
0x32: {  	s10 =	sld [smem:$0x3FB6];
	_ =	sdelay $0x3  }
0x33: {  	p0 =	seq.s32 s10, $0x1;
	s10 =	sld [smem:$0x3FB8];
	_ =	sdelay $0x3  }
0x34: {  	[smem:$0x3FB8] =	sst s10  }
0x35: {  	s10 =	sld [smem:$0x3FB7];
	_ =	sdelay $0x3  }
0x36: {  	p1 =	seq.s32 s10, $0x1;
	s10 =	sld [smem:$0x3FB8];
	_ =	sdelay $0x3  }
0x37: {  	[smem:$0x3FB8] =	sst s10  }
0x38: {  	s10 =	sld [smem:$0x3FB9]  }
0x39: {  	_ = 	snop;
	(pc) =	sbr.ind lr, $3  }
0x3a: {  	_ = 	snop  }
0x3b: {  	_ = 	snop  }
0x3c: {  	p2 =	seq.s32 s10, $0x1;
	s10 =	sld [smem:$0x3FB8]  }
0x3d: {  	_ =	shalt  }
0x3e: {  	_ =	shalt  }
0x3f: {  	_ =	shalt  }
0x40: {  	_ =	shalt  }
0x41: {  	_ =	shalt  }
0x42: {  	_ =	shalt  }
0x43: {  	_ =	shalt  }
0x44: {  	_ =	shalt  }
0x45: {  	_ =	shalt  }
0x46: {  	_ =	shalt  }
0x47: {  	_ =	shalt  }
0x48: {  	_ =	shalt  }
0x49: {  	_ =	shalt  }
0x4a: {  	_ =	shalt  }
0x4b: {  	_ =	shalt  }
0x4c: {  	_ =	shalt  }
0x4d: {  	_ =	shalt  }
0x4e: {  	_ =	shalt  }
0x4f: {  	_ =	shalt  }
0x50: {  	_ =	shalt  }
0x51: {  	_ =	shalt  }
0x52: {  	_ =	shalt  }
0x53: {  	_ =	shalt  }
0x54: {  	_ =	shalt  }
0x55: {  	_ =	shalt  }
0x56: {  	_ =	shalt  }
0x57: {  	_ =	shalt  }
0x58: {  	_ =	shalt  }
0x59: {  	_ =	shalt  }
0x5a: {  	_ =	shalt  }
0x5b: {  	_ =	shalt  }
0x5c: {  	_ =	shalt  }
0x5d: {  	_ =	shalt  }
0x5e: {  	_ =	shalt  }
0x5f: {  	_ =	shalt  }
0x60: {  	_ =	shalt  }
0x61: {  	_ =	shalt  }
0x62: {  	_ =	shalt  }
0x63: {  	_ =	shalt  }
0x64: {  	_ =	shalt  }
0x65: {  	_ =	shalt  }
0x66: {  	_ =	shalt  }
0x67: {  	_ =	shalt  }
0x68: {  	_ =	shalt  }
0x69: {  	_ =	shalt  }
0x6a: {  	_ =	shalt  }
0x6b: {  	_ =	shalt  }
0x6c: {  	_ =	shalt  }
0x6d: {  	_ =	shalt  }
0x6e: {  	_ =	shalt  }
0x6f: {  	_ =	shalt  }
0x70: {  	_ =	shalt  }
0x71: {  	_ =	shalt  }
0x72: {  	_ =	shalt  }
0x73: {  	_ =	shalt  }
0x74: {  	_ =	shalt  }
0x75: {  	_ =	shalt  }
0x76: {  	_ =	shalt  }
0x77: {  	_ =	shalt  }
0x78: {  	_ =	shalt  }
0x79: {  	_ =	shalt  }
0x7a: {  	_ =	shalt  }
0x7b: {  	_ =	shalt  }
0x7c: {  	_ =	shalt  }
0x7d: {  	_ =	shalt  }
0x7e: {  	_ =	shalt  }
0x7f: {  	_ =	shalt  }
0x80: {  	_ =	shalt  }
0x81: {  	_ =	shalt  }
0x82: {  	_ =	shalt  }
0x83: {  	_ =	shalt  }
0x84: {  	_ =	shalt  }
0x85: {  	_ =	shalt  }
0x86: {  	_ =	shalt  }
0x87: {  	_ =	shalt  }
.Lfunc_end0:
.L_simem_size_0:
called_computation_lowered:
.L_overlay_start_0:
0x88: {  	s2 =	sld [smem:$0x3FD9]  }
0x89: {  	s3 =	sld [smem:$0x3FFE];
	_ =	sdelay $0x1  }
0x8a: {  	s1 =	srdreg.scid  }
0x8b: {  	s0 =	sand.u32 $0x1, s1  }
0x8c: {  	s17 =	sshll.u32 s0, $0xA;
	s2 =	sadd.s32 s3, s2  }
0x8d: {  	s2 =	sadd.s32 s2, s17  }
0x8e: {  	[smem:$0x3FC4] =	sst s2  }
0x8f: {  	_ = 	snop  }
0x90: {  	s2 =	sld [smem:$0x3FC9]  }
0x91: {  	s18 =	sld [smem:$0x3FC8]  }
0x92: {  	s4 =	sld [smem:$0x3FC7]  }
0x93: {  	s5 =	sld [smem:$0x3FC6];
	(tm) =	ssettm $0x1  }
0x94: {  	s6 =	sld [smem:$0x3FFB];
	_ =	sdelay $0x3  }
0x95: {  	_ =	strace s6  }
0x96: {  	s6 =	sld [smem:$0x3FFC];
	_ =	sdelay $0x3  }
0x97: {  	_ =	strace s6  }
0x98: {  	s6 =	sld [smem:$0x3FFD];
	_ =	sdelay $0x3  }
0x99: {  	_ =	strace s6  }
0x9a: {  	_ =	strace $0x8FFFFFFF  }
0x9b: {  	s19 =	sld [smem:$0x3FDB];
	_ =	sdelay $0x1  }
0x9c: {  	s7 =	simm.s32 $_scs_section_size  }
0x9d: {  	s8 =	simm.s32 $_size__tile_overlayer_lowered;
	s9 =	simm.s32 $_tile_overlayer_lowered  }
0x9e: {  	s22 =	simm.s32 $0x1BFF;
	s21 =	sshll.u32 s9, $0x1;
	s6 =	sadd.s32 s7, s19  }
0x9f: {  	s10 =	simm.s32 $0x0;
	s20 =	sshll.u32 s8, $0x1;
	s8 =	sadd.s32 s21, s6  }
0xa0: {  	[timem:s10], [sflag:s22] =	dma.local [hbm:s8], s20  }
0xa1: {  	_ =	swait.ge [sflag:s22], s20  }
0xa2: {  	s7 =	ssub.s32 $0x0, s20;
	[sflag:s22] =	ssyncset.done $0x0  }
0xa3: {  	[sflag:s22] =	ssyncadd.s32 s7;
	_ =	sdelay $0x1  }
0xa4: {  	s23 =	simm.s32 $0x1B8B  }
0xa5: {  	_ =	swait.ge [sflag:s23], $0x1  }
0xa6: {  	[sflag:s23] =	ssyncset.done $0x0  }
0xa7: {  	s25 =	simm.s32 $0x1B8E;
	s24 =	sld [smem:$0x3FFE];
	[sflag:s23] =	ssyncadd.s32 $0xFFFFFFFF  }
0xa8: {  	s26 =	simm.s32 $execute0_lowered;
	[smem:$0x3FD2] =	sst s25  }
0xa9: {  	s8 =	sshll.u32 s26, $0x1;
	_ =	strace $0x80000046;
	[dreg:$0x1] =	wrdreg $0xFFFFFFFF  }
0xaa: {  	s28 =	simm.s32 $_size_execute0_lowered;
	s6 =	sadd.s32 s6, s8;
	[dreg:$0x0] =	wrdreg $0x0  }
0xab: {  	s8 =	sshll.u32 s28, $0x1;
	[dreg:$0x2] =	wrdreg s6  }
0xac: {  	[dreg:$0x3] =	wrdreg s8  }
0xad: {  	[dreg:$0x4] =	wrdreg $0xC0  }
0xae: {  	_ =	task [dreg:s10], $0x5FFFF  }
0xaf: {  	[dreg:$0x1] =	wrdreg $0xFFFFFFFF  }
0xb0: {  	[dreg:$0x0] =	wrdreg $0x60  }
0xb1: {  	[dreg:$0x2] =	wrdreg s2  }
0xb2: {  	[dreg:$0x3] =	wrdreg s18  }
0xb3: {  	[dreg:$0x4] =	wrdreg s4  }
0xb4: {  	[dreg:$0x5] =	wrdreg s5  }
0xb5: {  	[dreg:$0x6] =	wrdreg s24  }
0xb6: {  	[dreg:$0x7] =	wrdreg $0x190800  }
0xb7: {  	[dreg:$0x8] =	wrdreg $0x1B0800  }
0xb8: {  	[dreg:$0x9] =	wrdreg $0x1D0800  }
0xb9: {  	[dreg:$0xa] =	wrdreg $0x1D4800  }
0xba: {  	[dreg:$0xb] =	wrdreg $0x9  }
0xbb: {  	_ =	task.clear_ibuf [dreg:s10], $0xCFFFF;
	_ =	strace $0x90000046  }
0xbc: {  	s29 =	simm.s32 $0x9;
	_ =	strace $0x80000048  }
0xbd: {  	_ =	swait.ge [sflag:s29], $0x1  }
0xbe: {  	[sflag:s29] =	ssyncadd.s32 $0xFFFFFFFF  }
0xbf: {  	_ =	strace $0x90000048  }
0xc0: {  	_ =	sfence  }
0xc1: {  	s30 =	sld [smem:$0x0];
	_ =	sdelay $0x2  }
0xc2: {  	s31 =	sshll.u32 s1, $0xD;
	s1 =	sshrl.u32 s1, $0x2  }
0xc3: {  	s3 =	sand.u32 $0x4000, s31;
	s1 =	sadd.s32 s1, s30  }
0xc4: {  	s0 =	sor.u32 s3, s0;
	s1 =	sshll.u32 s1, $0x11  }
0xc5: {  	s0 =	sor.u32 s1, s0  }
0xc6: {  	s0 =	sadd.s32 $0x8F2B, s0  }
0xc7: {  	[sflag:s0] =	ssyncadd.remote.s32 $0x1  }
0xc8: {  	_ =	sfence.sel $0xFFFF  }
0xc9: {  	[dreg:$0x0] =	wrdreg $0xFFFFFFFF;
	(pc) =	sbr.abs _section_cstart, $3  }
0xca: {  	[dreg:$0x1] =	wrdreg $0xFFFFFFFF  }
0xcb: {  	_ =	task.clear_ibuf [dreg:s10], $0x2FFFF;
	_ =	strace $0x9FFFFFFF  }
0xcc: {  	(tm) =	ssettm $0x7FFFFFFF  }
0xcd: {  	_ =	shalt  }
tec
execute0_lowered:
.L_overlay_start_1:
0x0: {  	(tag) =	ssettag $0x1  }
0x1: {  	s0 =	rddreg [dreg:$0x0]  }
0x2: {  	s3 =	rddreg [dreg:$0x1]  }
0x3: {  	s4 =	rddreg [dreg:$0x2]  }
0x4: {  	s5 =	rddreg [dreg:$0x3]  }
0x5: {  	s7 =	rddreg [dreg:$0x4]  }
0x6: {  	s1 =	rddreg [dreg:$0x5]  }
0x7: {  	s2 =	rddreg [dreg:$0x6]  }
0x8: {  	s6 =	srdreg.scid;
	s19 =	rddreg [dreg:$0x7]  }
0x9: {  	s18 =	stileid.u32;
	s20 =	rddreg [dreg:$0x8]  }
0xa: {  	s28 =	simm.s32 $0x5000;
	s29 =	simm.s32 $0xD000;
	s30 =	simm.s32 $0x11000  }
0xb: {  	s31 =	simm.s32 $0x9;
	s8 =	sand.u32 $0x1, s6;
	s9 =	sshll.u32 s18, $0xD  }
0xc: {  	s6 =	simm.s32 $0x0;
	s14 =	sshll.u32 s18, $0xA;
	s10 =	sshll.u32 s8, $0x11  }
0xd: {  	[smem:$0x7FF] =	sst s6;
	s11 =	sshll.u32 s8, $0xE;
	s12 =	sshll.u32 s8, $0x4  }
0xe: {  	s13 =	ssub.s32 $0x2, s8;
	s10 =	sor.u32 s9, s10;
	_ =	strace $0x80000047  }
0xf: {  	s11 =	sor.u32 s14, s11;
	s15 =	sor.u32 s18, s12;
	s23 =	sshrl.u32 s13, $0x1  }
0x10: {  	s12 =	sadd.s32 s9, s2;
	s10 =	sshrl.u32 s10, $0x3;
	s11 =	sshrl.u32 s11, $0x3  }
0x11: {  	s16 =	sshll.u32 s15, $0xF;
	s17 =	ssub.s32 s13, s23;
	s10 =	sadd.s32 s10, s7  }
0x12: {  	s7 =	sadd.s32 s11, s7;
	s24 =	sor.u32 $0x800, s16;
	s25 =	sadd.s32 s0, s16  }
0x13: {  	s26 =	sadd.s32 s3, s16;
	s16 =	sshll.u32 s15, $0x8;
	[dreg:$0xa] =	wrdreg s25  }
0x14: {  	s15 =	simm.s32 $0x7;
	[dreg:$0xb] =	wrdreg s26;
	s13 =	sadd.s32 s0, s24  }
0x15: {  	s11 =	sadd.s32 s3, s24;
	s4 =	sadd.s32 s4, s16;
	[dreg:$0xc] =	wrdreg s13  }
0x16: {  	s21 =	sadd.s32 $0x9000, s10;
	s22 =	sadd.s32 $0x11000, s7;
	[dreg:$0xd] =	wrdreg s11  }
0x17: {  	s23 =	sadd.s32 $0x12000, s7;
	s24 =	smax.u32 s17, $0x1;
	[dreg:$0xe] =	wrdreg s4  }
0x18: {  	s25 =	sshll.u32 s8, $0x13;
	s7 =	simm.s32 $0x2;
	[dreg:$0x11] =	wrdreg s21  }
0x19: {  	s8 =	simm.s32 $0x4;
	s11 =	sadd.s32 s9, s1;
	[dreg:$0x12] =	wrdreg s22  }
0x1a: {  	s13 =	sadd.s32 s14, s19;
	s14 =	sadd.s32 s14, s20;
	[dreg:$0x13] =	wrdreg s23  }
0x1b: {  	s19 =	sadd.s32 s5, s16;
	s20 =	sadd.s32 $0x1000, s10;
	[dreg:$0x14] =	wrdreg s24  }
0x1c: {  	s22 =	sshll.u32 s18, $0xF;
	s0 =	sadd.s32 s25, s0;
	s26 =	sadd.s32 s25, s3  }
.Ltmp0:
0x1d: {  	s25 =	simm.s32 $0x1000;
	s4 =	simm.s32 $0x1;
	(pc) =	sbr.rel .LBB2_1-.Ltmp0, $4  }
0x1e: {  	v0 =	vlaneseq.u32;
	s5 =	simm.s32 $0x80;
	s3 =	simm.s32 $0x3;
	[dreg:$0xf] =	wrdreg s19  }
0x1f: {  	v1 =	vimm.f32 $0.0e+00;
	v9 =	vimm.f32 $1.000000000e+00;
	v2 =	vor.u32 $0x10, v0;
	s9 =	simm.s32 $0x5;
	s10 =	simm.s32 $0x6;
	[dreg:$0x10] =	wrdreg s20  }
0x20: {  	v3 =	vor.u32 $0x20, v0;
	v4 =	vor.u32 $0x30, v0;
	v5 =	vor.u32 $0x40, v0;
	s16 =	simm.s32 $0x8;
	s18 =	simm.s32 $0x0;
	[dreg:$0x15] =	wrdreg s0  }
0x21: {  	v6 =	vor.u32 $0x50, v0;
	v7 =	vor.u32 $0x60, v0;
	v8 =	vor.u32 $0x70, v0;
	[dreg:$0x16] =	wrdreg s26;
	s26 =	simm.s32 $0x9000;
	s0 =	simm.s32 $0x15000  }
.LBB2_6:
0x22: {  	_ =	swait.ge [sflag:s10], $0x4000  }
0x23: {  	[sflag:s10] =	ssyncset.done $0x0  }
0x24: {  	[sflag:s10] =	ssyncadd.s32 $0xFFFFC000  }
0x25: {  	_ =	swait.ge [sflag:s15], $0x4000  }
0x26: {  	[sflag:s15] =	ssyncset.done $0x0  }
0x27: {  	[sflag:s15] =	ssyncadd.s32 $0xFFFFC000  }
0x28: {  	_ =	swait.ge [sflag:s16], $0x4000  }
0x29: {  	[sflag:s16] =	ssyncset.done $0x0  }
0x2a: {  	[sflag:s16] =	ssyncadd.s32 $0xFFFFC000  }
0x2b: {  	s19 =	simm.s32 $0x19000;
	s17 =	rddreg [dreg:$0x7]  }
0x2c: {  	[spmem:s17] =	stream.indirect.scatter.add.f32 [tilespmem:s30], [sflag:$0x9], $0x80, s19, s5, $0xb8;
	[tilespmem:$0x1D880] =	vst v63  }
0x2d: {  	_ =	swait.ge [sflag:s31], $0x4000  }
0x2e: {  	[sflag:s31] =	ssyncset.done $0x0  }
0x2f: {  	[sflag:s31] =	ssyncadd.s32 $0xFFFFC000  }
0x30: {  	s21 =	rddreg [dreg:$0x8]  }
0x31: {  	[spmem:s21] =	stream.indirect.scatter.add.f32 [tilespmem:s0], [sflag:$0x9], $0x80, s19, s5, $0xb8;
	[tilespmem:$0x1D880] =	vst v63  }
0x32: {  	_ =	swait.ge [sflag:s31], $0x4000  }
0x33: {  	[sflag:s31] =	ssyncset.done $0x0  }
0x34: {  	s23 =	stileid.u32;
	[sflag:s31] =	ssyncadd.s32 $0xFFFFC000  }
0x35: {  	s17 =	sshll.u32 s23, $0x6;
	[bflag:$0x0] =	sbarrier.arrive $0xFFFF  }
0x36: {  	s24 =	sshrl.u32 s11, $0x3;
	s17 =	sor.u32 $0x1C09, s17;
	s20 =	rddreg [dreg:$0x10]  }
0x37: {  	[hbm:s20], [sflag:s17] =	dma.local [spmem:s24], $0x400  }
0x38: {  	_ =	swait.ge [sflag:s31], $0x400  }
0x39: {  	[sflag:s31] =	ssyncset.done $0x0  }
0x3a: {  	s20 =	sshrl.u32 s12, $0x3;
	s21 =	rddreg [dreg:$0x11];
	[sflag:s31] =	ssyncadd.s32 $0xFFFFFC00  }
0x3b: {  	[hbm:s21], [sflag:s17] =	dma.local [spmem:s20], $0x400  }
0x3c: {  	_ =	swait.ge [sflag:s31], $0x400  }
0x3d: {  	[sflag:s31] =	ssyncset.done $0x0  }
0x3e: {  	s23 =	sshrl.u32 s13, $0x3;
	s24 =	rddreg [dreg:$0x12];
	[sflag:s31] =	ssyncadd.s32 $0xFFFFFC00  }
0x3f: {  	[hbm:s24], [sflag:s17] =	dma.local [spmem:s23], $0x80  }
0x40: {  	_ =	swait.ge [sflag:s31], $0x80  }
0x41: {  	[sflag:s31] =	ssyncset.done $0x0  }
0x42: {  	s21 =	sshrl.u32 s14, $0x3;
	s23 =	rddreg [dreg:$0x13];
	[sflag:s31] =	ssyncadd.s32 $0xFFFFFF80  }
0x43: {  	[hbm:s23], [sflag:s17] =	dma.local [spmem:s21], $0x80  }
0x44: {  	_ =	swait.ge [sflag:s31], $0x80  }
0x45: {  	s18 =	sadd.s32 $0x1, s18;
	s24 =	rddreg [dreg:$0x14]  }
0x46: {  	p0 =	sne.s32 s18, s24  }
.Ltmp1:
0x47: {  	_ = 	snop;
	(pc) =	sbr.rel @!p0 .LBB2_7-.Ltmp1, $3  }
0x48: {  	_ =	sdelay $0x1  }
0x49: {  	[sflag:s31] =	ssyncset.done $0x0  }
0x4a: {  	[sflag:s31] =	ssyncadd.s32 $0xFFFFFF80  }
.LBB2_1:
0x4b: {  	s17 =	rddreg [dreg:$0xa]  }
0x4c: {  	[tilespmem:s25], [sflag:$0x1] =	stream.linear.gather [hbm4b:s17+s6], $0x4000, $0x38;
	[tilespmem:$0x1D880] =	vst v63  }
0x4d: {  	s21 =	rddreg [dreg:$0xb]  }
0x4e: {  	[tilespmem:s26], [sflag:$0x3] =	stream.linear.gather [hbm4b:s21+s6], $0x4000, $0x38;
	[tilespmem:$0x1D880] =	vst v63  }
0x4f: {  	s23 =	rddreg [dreg:$0xc]  }
0x50: {  	[tilespmem:s28], [sflag:$0x2] =	stream.linear.gather [hbm4b:s23+s6], $0x4000, $0x38;
	[tilespmem:$0x1D880] =	vst v63  }
0x51: {  	s24 =	rddreg [dreg:$0xd];
	s19 =	simm.s32 $0x0;
	s21 =	simm.s32 $0x200  }
0x52: {  	[tilespmem:s29], [sflag:$0x4] =	stream.linear.gather [hbm4b:s24+s6], $0x4000, $0x38;
	[tilespmem:$0x1D880] =	vst v63  }
.LBB2_2:
0x53: {  	p0 =	sne.s32 s21, $0xFE00;
	[tilespmem:s19+$0x15070] =	vst v1  }
0x54: {  	[tilespmem:s19+$0x11000] =	vst v1  }
0x55: {  	[tilespmem:s19+$0x15000] =	vst v1  }
0x56: {  	[tilespmem:s19+$0x11010] =	vst v1  }
0x57: {  	[tilespmem:s19+$0x15010] =	vst v1  }
0x58: {  	[tilespmem:s19+$0x11020] =	vst v1  }
0x59: {  	[tilespmem:s19+$0x15020] =	vst v1  }
0x5a: {  	[tilespmem:s19+$0x11030] =	vst v1  }
0x5b: {  	[tilespmem:s19+$0x15030] =	vst v1  }
0x5c: {  	[tilespmem:s19+$0x11040] =	vst v1  }
0x5d: {  	[tilespmem:s19+$0x15040] =	vst v1  }
.Ltmp2:
0x5e: {  	[tilespmem:s19+$0x11050] =	vst v1;
	(pc) =	sbr.rel @p0 .LBB2_2-.Ltmp2, $4  }
0x5f: {  	[tilespmem:s19+$0x15050] =	vst v1  }
0x60: {  	[tilespmem:s19+$0x11060] =	vst v1  }
0x61: {  	[tilespmem:s19+$0x15060] =	vst v1  }
0x62: {  	[tilespmem:s19+$0x11070] =	vst v1;
	s19 =	sshra.s32 s21, $0x2;
	s21 =	sadd.s32 $0x200, s21  }
0x63: {  	[tilespmem:s19+$0x15070] =	vst v1  }
0x64: {  	[tilespmem:s19+$0x11000] =	vst v1  }
0x65: {  	[tilespmem:s19+$0x15000] =	vst v1  }
0x66: {  	[tilespmem:s19+$0x11010] =	vst v1  }
0x67: {  	[tilespmem:s19+$0x15010] =	vst v1  }
0x68: {  	[tilespmem:s19+$0x11020] =	vst v1  }
0x69: {  	[tilespmem:s19+$0x15020] =	vst v1  }
0x6a: {  	[tilespmem:s19+$0x11030] =	vst v1  }
0x6b: {  	[tilespmem:s19+$0x15030] =	vst v1  }
0x6c: {  	[tilespmem:s19+$0x11040] =	vst v1  }
0x6d: {  	[tilespmem:s19+$0x15040] =	vst v1  }
0x6e: {  	[tilespmem:s19+$0x11050] =	vst v1  }
0x6f: {  	[tilespmem:s19+$0x15050] =	vst v1  }
0x70: {  	[tilespmem:s19+$0x11060] =	vst v1  }
0x71: {  	[tilespmem:s19+$0x15060] =	vst v1  }
0x72: {  	[tilespmem:s19+$0x11070] =	vst v1  }
0x73: {  	[tilespmem:$0x19000] =	vst v0  }
0x74: {  	[tilespmem:$0x19010] =	vst v2  }
0x75: {  	[tilespmem:$0x19020] =	vst v3  }
0x76: {  	[tilespmem:$0x19030] =	vst v4  }
0x77: {  	[tilespmem:$0x19040] =	vst v5  }
0x78: {  	[tilespmem:$0x19050] =	vst v6  }
0x79: {  	[tilespmem:$0x19060] =	vst v7  }
0x7a: {  	[tilespmem:$0x19070] =	vst v8  }
0x7b: {  	[spmem:s11] =	stream.linear.scatter [tilespmem:s30], [sflag:$0x9], $0x2000, $0x38;
	[tilespmem:$0x1D880] =	vst v63  }
0x7c: {  	_ =	swait.ge [sflag:s31], $0x2000  }
0x7d: {  	[sflag:s31] =	ssyncset.done $0x0  }
0x7e: {  	[sflag:s31] =	ssyncadd.s32 $0xFFFFE000  }
0x7f: {  	[spmem:s12] =	stream.linear.scatter [tilespmem:s30], [sflag:$0x9], $0x2000, $0x38;
	[tilespmem:$0x1D880] =	vst v63  }
0x80: {  	_ =	swait.ge [sflag:s31], $0x2000  }
0x81: {  	[sflag:s31] =	ssyncset.done $0x0  }
0x82: {  	[sflag:s31] =	ssyncadd.s32 $0xFFFFE000  }
0x83: {  	[spmem:s13] =	stream.linear.scatter [tilespmem:s30], [sflag:$0x9], $0x400, $0x38;
	[tilespmem:$0x1D880] =	vst v63  }
0x84: {  	_ =	swait.ge [sflag:s31], $0x400  }
0x85: {  	[sflag:s31] =	ssyncset.done $0x0  }
0x86: {  	[sflag:s31] =	ssyncadd.s32 $0xFFFFFC00  }
0x87: {  	[spmem:s14] =	stream.linear.scatter [tilespmem:s30], [sflag:$0x9], $0x400, $0x38;
	[tilespmem:$0x1D880] =	vst v63  }
0x88: {  	_ =	swait.ge [sflag:s31], $0x400  }
0x89: {  	[sflag:s31] =	ssyncset.done $0x0  }
0x8a: {  	s19 =	simm.s32 $0x0;
	s17 =	rddreg [dreg:$0xe];
	[sflag:s31] =	ssyncadd.s32 $0xFFFFFC00  }
0x8b: {  	[tilespmem:s19], [sflag:$0x9] =	stream.linear.gather [hbm4b:s17+s19], $0x800, $0x38;
	[tilespmem:$0x1D880] =	vst v63  }
0x8c: {  	_ =	swait.ge [sflag:s31], $0x800  }
0x8d: {  	[sflag:s31] =	ssyncset.done $0x0  }
0x8e: {  	s20 =	simm.s32 $0x800;
	s24 =	rddreg [dreg:$0xf];
	[sflag:s31] =	ssyncadd.s32 $0xFFFFF800  }
0x8f: {  	[tilespmem:s20], [sflag:$0x9] =	stream.linear.gather [hbm4b:s24+s19], $0x800, $0x38;
	[tilespmem:$0x1D880] =	vst v63  }
0x90: {  	_ =	swait.ge [sflag:s31], $0x800  }
0x91: {  	[sflag:s31] =	ssyncset.done $0x0  }
0x92: {  	[sflag:s31] =	ssyncadd.s32 $0xFFFFF800  }
0x93: {  	[bflag:$0x0] =	sbarrier.arrive $0xFFFF  }
0x94: {  	s24 =	rddreg [dreg:$0x16]  }
0x95: {  	s23 =	rddreg [dreg:$0x15]  }
.LBB2_4:
0x96: {  	_ =	swait.ge [sflag:s4], $0x4000  }
0x97: {  	[sflag:s4] =	ssyncset.done $0x0  }
0x98: {  	s21 =	sshra.s32 s19, $0x2;
	[sflag:s4] =	ssyncadd.s32 $0xFFFFC000  }
0x99: {  	[spmem:s1] =	stream.indirect.scatter.add.f32 [tilespmem:s25], [sflag:$0x5], $0x80, s21, s5, $0xb8;
	[tilespmem:$0x1D880] =	vst v63  }
0x9a: {  	_ =	swait.ge [sflag:s3], $0x4000  }
0x9b: {  	[sflag:s3] =	ssyncset.done $0x0  }
0x9c: {  	s20 =	sadd.s32 $0x800, s21;
	[sflag:s3] =	ssyncadd.s32 $0xFFFFC000  }
0x9d: {  	[spmem:s2] =	stream.indirect.scatter.add.f32 [tilespmem:s26], [sflag:$0x7], $0x80, s20, s5, $0xb8;
	[tilespmem:$0x1D880] =	vst v63  }
0x9e: {  	v10 =	vld [tilespmem:s21+$0x0];
	_ =	sdelay $0x4  }
0x9f: {  	v10 =	vshll.u32 v10, $0x4  }
0xa0: {  	v10 =	vor.u32 v0, v10;
	_ =	sdelay $0x4  }
0xa1: {  	[tilespmem:v10+s30+$0x0] =	vst.idx.add.f32.msk $0xffff, v9  }
0xa2: {  	v10 =	vld [tilespmem:s21+$0x10];
	_ =	sdelay $0x4  }
0xa3: {  	v10 =	vshll.u32 v10, $0x4  }
0xa4: {  	v10 =	vor.u32 v0, v10;
	_ =	sdelay $0x4  }
0xa5: {  	[tilespmem:v10+s30+$0x0] =	vst.idx.add.f32.msk $0xffff, v9  }
0xa6: {  	v10 =	vld [tilespmem:s21+$0x20];
	_ =	sdelay $0x4  }
0xa7: {  	v10 =	vshll.u32 v10, $0x4  }
0xa8: {  	v10 =	vor.u32 v0, v10;
	_ =	sdelay $0x4  }
0xa9: {  	[tilespmem:v10+s30+$0x0] =	vst.idx.add.f32.msk $0xffff, v9  }
0xaa: {  	v10 =	vld [tilespmem:s21+$0x30];
	_ =	sdelay $0x4  }
0xab: {  	v10 =	vshll.u32 v10, $0x4  }
0xac: {  	v10 =	vor.u32 v0, v10;
	_ =	sdelay $0x4  }
0xad: {  	[tilespmem:v10+s30+$0x0] =	vst.idx.add.f32.msk $0xffff, v9  }
0xae: {  	v10 =	vld [tilespmem:s21+$0x40];
	_ =	sdelay $0x4  }
0xaf: {  	v10 =	vshll.u32 v10, $0x4  }
0xb0: {  	v10 =	vor.u32 v0, v10;
	_ =	sdelay $0x4  }
0xb1: {  	[tilespmem:v10+s30+$0x0] =	vst.idx.add.f32.msk $0xffff, v9  }
0xb2: {  	v10 =	vld [tilespmem:s21+$0x50];
	_ =	sdelay $0x4  }
0xb3: {  	v10 =	vshll.u32 v10, $0x4  }
0xb4: {  	v10 =	vor.u32 v0, v10;
	_ =	sdelay $0x4  }
0xb5: {  	[tilespmem:v10+s30+$0x0] =	vst.idx.add.f32.msk $0xffff, v9  }
0xb6: {  	v10 =	vld [tilespmem:s21+$0x60];
	_ =	sdelay $0x4  }
0xb7: {  	v10 =	vshll.u32 v10, $0x4  }
0xb8: {  	v10 =	vor.u32 v0, v10;
	_ =	sdelay $0x4  }
0xb9: {  	[tilespmem:v10+s30+$0x0] =	vst.idx.add.f32.msk $0xffff, v9  }
0xba: {  	v10 =	vld [tilespmem:s21+$0x70];
	_ =	sdelay $0x4  }
0xbb: {  	v10 =	vshll.u32 v10, $0x4  }
0xbc: {  	v10 =	vor.u32 v0, v10;
	_ =	sdelay $0x4  }
0xbd: {  	[tilespmem:v10+s30+$0x0] =	vst.idx.add.f32.msk $0xffff, v9  }
0xbe: {  	v10 =	vld [tilespmem:s21+$0x800];
	_ =	sdelay $0x4  }
0xbf: {  	v10 =	vshll.u32 v10, $0x4  }
0xc0: {  	v10 =	vor.u32 v0, v10;
	_ =	sdelay $0x4  }
0xc1: {  	[tilespmem:v10+s0+$0x0] =	vst.idx.add.f32.msk $0xffff, v9  }
0xc2: {  	v10 =	vld [tilespmem:s21+$0x810];
	_ =	sdelay $0x4  }
0xc3: {  	v10 =	vshll.u32 v10, $0x4  }
0xc4: {  	v10 =	vor.u32 v0, v10;
	_ =	sdelay $0x4  }
0xc5: {  	[tilespmem:v10+s0+$0x0] =	vst.idx.add.f32.msk $0xffff, v9  }
0xc6: {  	v10 =	vld [tilespmem:s21+$0x820];
	_ =	sdelay $0x4  }
0xc7: {  	v10 =	vshll.u32 v10, $0x4  }
0xc8: {  	v10 =	vor.u32 v0, v10;
	_ =	sdelay $0x4  }
0xc9: {  	[tilespmem:v10+s0+$0x0] =	vst.idx.add.f32.msk $0xffff, v9  }
0xca: {  	v10 =	vld [tilespmem:s21+$0x830];
	_ =	sdelay $0x4  }
0xcb: {  	v10 =	vshll.u32 v10, $0x4  }
0xcc: {  	v10 =	vor.u32 v0, v10;
	_ =	sdelay $0x4  }
0xcd: {  	[tilespmem:v10+s0+$0x0] =	vst.idx.add.f32.msk $0xffff, v9  }
0xce: {  	v10 =	vld [tilespmem:s21+$0x840];
	_ =	sdelay $0x4  }
0xcf: {  	v10 =	vshll.u32 v10, $0x4  }
0xd0: {  	v10 =	vor.u32 v0, v10;
	_ =	sdelay $0x4  }
0xd1: {  	[tilespmem:v10+s0+$0x0] =	vst.idx.add.f32.msk $0xffff, v9  }
0xd2: {  	v10 =	vld [tilespmem:s21+$0x850];
	_ =	sdelay $0x4  }
0xd3: {  	v10 =	vshll.u32 v10, $0x4  }
0xd4: {  	v10 =	vor.u32 v0, v10;
	_ =	sdelay $0x4  }
0xd5: {  	[tilespmem:v10+s0+$0x0] =	vst.idx.add.f32.msk $0xffff, v9  }
0xd6: {  	v10 =	vld [tilespmem:s21+$0x860];
	_ =	sdelay $0x4  }
0xd7: {  	v10 =	vshll.u32 v10, $0x4  }
0xd8: {  	v10 =	vor.u32 v0, v10;
	_ =	sdelay $0x4  }
0xd9: {  	[tilespmem:v10+s0+$0x0] =	vst.idx.add.f32.msk $0xffff, v9  }
0xda: {  	v10 =	vld [tilespmem:s21+$0x870];
	_ =	sdelay $0x4  }
0xdb: {  	v10 =	vshll.u32 v10, $0x4  }
0xdc: {  	v10 =	vor.u32 v0, v10;
	_ =	sdelay $0x4  }
0xdd: {  	[tilespmem:v10+s0+$0x0] =	vst.idx.add.f32.msk $0xffff, v9  }
0xde: {  	_ =	swait.ge [sflag:s7], $0x4000  }
0xdf: {  	[sflag:s7] =	ssyncset.done $0x0  }
0xe0: {  	s17 =	sadd.s32 $0x80, s21;
	[sflag:s7] =	ssyncadd.s32 $0xFFFFC000  }
0xe1: {  	[spmem:s1] =	stream.indirect.scatter.add.f32 [tilespmem:s28], [sflag:$0x6], $0x80, s17, s5, $0xb8;
	[tilespmem:$0x1D880] =	vst v63  }
0xe2: {  	_ =	swait.ge [sflag:s8], $0x4000  }
0xe3: {  	[sflag:s8] =	ssyncset.done $0x0  }
0xe4: {  	s17 =	sadd.s32 $0x880, s21;
	[sflag:s8] =	ssyncadd.s32 $0xFFFFC000  }
0xe5: {  	[spmem:s2] =	stream.indirect.scatter.add.f32 [tilespmem:s29], [sflag:$0x8], $0x80, s17, s5, $0xb8;
	[tilespmem:$0x1D880] =	vst v63  }
0xe6: {  	v10 =	vld [tilespmem:s21+$0x80];
	_ =	sdelay $0x4  }
0xe7: {  	v10 =	vshll.u32 v10, $0x4  }
0xe8: {  	v10 =	vor.u32 v0, v10;
	_ =	sdelay $0x4  }
0xe9: {  	[tilespmem:v10+s30+$0x0] =	vst.idx.add.f32.msk $0xffff, v9  }
0xea: {  	v10 =	vld [tilespmem:s21+$0x90];
	_ =	sdelay $0x4  }
0xeb: {  	v10 =	vshll.u32 v10, $0x4  }
0xec: {  	v10 =	vor.u32 v0, v10;
	_ =	sdelay $0x4  }
0xed: {  	[tilespmem:v10+s30+$0x0] =	vst.idx.add.f32.msk $0xffff, v9  }
0xee: {  	v10 =	vld [tilespmem:s21+$0xA0];
	_ =	sdelay $0x4  }
0xef: {  	v10 =	vshll.u32 v10, $0x4  }
0xf0: {  	v10 =	vor.u32 v0, v10;
	_ =	sdelay $0x4  }
0xf1: {  	[tilespmem:v10+s30+$0x0] =	vst.idx.add.f32.msk $0xffff, v9  }
0xf2: {  	v10 =	vld [tilespmem:s21+$0xB0];
	_ =	sdelay $0x4  }
0xf3: {  	v10 =	vshll.u32 v10, $0x4  }
0xf4: {  	v10 =	vor.u32 v0, v10;
	_ =	sdelay $0x4  }
0xf5: {  	[tilespmem:v10+s30+$0x0] =	vst.idx.add.f32.msk $0xffff, v9  }
0xf6: {  	v10 =	vld [tilespmem:s21+$0xC0];
	_ =	sdelay $0x4  }
0xf7: {  	v10 =	vshll.u32 v10, $0x4  }
0xf8: {  	v10 =	vor.u32 v0, v10;
	_ =	sdelay $0x4  }
0xf9: {  	[tilespmem:v10+s30+$0x0] =	vst.idx.add.f32.msk $0xffff, v9  }
0xfa: {  	v10 =	vld [tilespmem:s21+$0xD0];
	_ =	sdelay $0x4  }
0xfb: {  	v10 =	vshll.u32 v10, $0x4  }
0xfc: {  	v10 =	vor.u32 v0, v10;
	_ =	sdelay $0x4  }
0xfd: {  	[tilespmem:v10+s30+$0x0] =	vst.idx.add.f32.msk $0xffff, v9  }
0xfe: {  	v10 =	vld [tilespmem:s21+$0xE0];
	_ =	sdelay $0x4  }
0xff: {  	v10 =	vshll.u32 v10, $0x4  }
0x100: {  	v10 =	vor.u32 v0, v10;
	_ =	sdelay $0x4  }
0x101: {  	[tilespmem:v10+s30+$0x0] =	vst.idx.add.f32.msk $0xffff, v9  }
0x102: {  	v10 =	vld [tilespmem:s21+$0xF0];
	_ =	sdelay $0x4  }
0x103: {  	v10 =	vshll.u32 v10, $0x4  }
0x104: {  	v10 =	vor.u32 v0, v10;
	_ =	sdelay $0x4  }
0x105: {  	[tilespmem:v10+s30+$0x0] =	vst.idx.add.f32.msk $0xffff, v9  }
0x106: {  	v10 =	vld [tilespmem:s21+$0x880];
	_ =	sdelay $0x4  }
0x107: {  	v10 =	vshll.u32 v10, $0x4  }
0x108: {  	v10 =	vor.u32 v0, v10;
	_ =	sdelay $0x4  }
0x109: {  	[tilespmem:v10+s0+$0x0] =	vst.idx.add.f32.msk $0xffff, v9  }
0x10a: {  	v10 =	vld [tilespmem:s21+$0x890];
	_ =	sdelay $0x4  }
0x10b: {  	v10 =	vshll.u32 v10, $0x4  }
0x10c: {  	v10 =	vor.u32 v0, v10;
	_ =	sdelay $0x4  }
0x10d: {  	[tilespmem:v10+s0+$0x0] =	vst.idx.add.f32.msk $0xffff, v9  }
0x10e: {  	v10 =	vld [tilespmem:s21+$0x8A0];
	_ =	sdelay $0x4  }
0x10f: {  	v10 =	vshll.u32 v10, $0x4  }
0x110: {  	v10 =	vor.u32 v0, v10;
	_ =	sdelay $0x4  }
0x111: {  	[tilespmem:v10+s0+$0x0] =	vst.idx.add.f32.msk $0xffff, v9  }
0x112: {  	v10 =	vld [tilespmem:s21+$0x8B0];
	_ =	sdelay $0x4  }
0x113: {  	v10 =	vshll.u32 v10, $0x4  }
0x114: {  	v10 =	vor.u32 v0, v10;
	_ =	sdelay $0x4  }
0x115: {  	[tilespmem:v10+s0+$0x0] =	vst.idx.add.f32.msk $0xffff, v9  }
0x116: {  	v10 =	vld [tilespmem:s21+$0x8C0];
	_ =	sdelay $0x4  }
0x117: {  	v10 =	vshll.u32 v10, $0x4  }
0x118: {  	v10 =	vor.u32 v0, v10;
	_ =	sdelay $0x4  }
0x119: {  	[tilespmem:v10+s0+$0x0] =	vst.idx.add.f32.msk $0xffff, v9  }
0x11a: {  	v10 =	vld [tilespmem:s21+$0x8D0];
	_ =	sdelay $0x4  }
0x11b: {  	v10 =	vshll.u32 v10, $0x4  }
0x11c: {  	v10 =	vor.u32 v0, v10;
	_ =	sdelay $0x4  }
0x11d: {  	[tilespmem:v10+s0+$0x0] =	vst.idx.add.f32.msk $0xffff, v9  }
0x11e: {  	v10 =	vld [tilespmem:s21+$0x8E0];
	_ =	sdelay $0x4  }
0x11f: {  	v10 =	vshll.u32 v10, $0x4  }
0x120: {  	v10 =	vor.u32 v0, v10;
	_ =	sdelay $0x4  }
0x121: {  	[tilespmem:v10+s0+$0x0] =	vst.idx.add.f32.msk $0xffff, v9  }
0x122: {  	v10 =	vld [tilespmem:s21+$0x8F0];
	_ =	sdelay $0x4  }
0x123: {  	v10 =	vshll.u32 v10, $0x4  }
0x124: {  	v10 =	vor.u32 v0, v10;
	_ =	sdelay $0x2  }
0x125: {  	p0 =	seq.s32 s19, $0x1C00  }
.Ltmp3:
0x126: {  	_ = 	snop;
	(pc) =	sbr.rel @p0 .LBB2_6-.Ltmp3, $4  }
0x127: {  	[tilespmem:v10+s0+$0x0] =	vst.idx.add.f32.msk $0xffff, v9  }
0x128: {  	_ =	swait.ge [sflag:s9], $0x4000  }
0x129: {  	[sflag:s9] =	ssyncset.done $0x0  }
0x12a: {  	[sflag:s9] =	ssyncadd.s32 $0xFFFFC000  }
0x12b: {  	s20 =	sadd.s32 s23, s22  }
0x12c: {  	s21 =	sadd.s32 $0x1000, s20  }
0x12d: {  	[tilespmem:s25], [sflag:$0x1] =	stream.linear.gather [hbm4b:s21+s6], $0x4000, $0x38;
	[tilespmem:$0x1D880] =	vst v63  }
0x12e: {  	_ =	swait.ge [sflag:s15], $0x4000  }
0x12f: {  	s21 =	sadd.s32 s24, s22;
	[sflag:s15] =	ssyncset.done $0x0  }
0x130: {  	s17 =	sadd.s32 $0x1000, s21;
	[sflag:s15] =	ssyncadd.s32 $0xFFFFC000  }
0x131: {  	[tilespmem:s26], [sflag:$0x3] =	stream.linear.gather [hbm4b:s17+s6], $0x4000, $0x38;
	[tilespmem:$0x1D880] =	vst v63  }
0x132: {  	_ =	swait.ge [sflag:s10], $0x4000  }
0x133: {  	[sflag:s10] =	ssyncset.done $0x0  }
0x134: {  	s20 =	sadd.s32 $0x1800, s20;
	[sflag:s10] =	ssyncadd.s32 $0xFFFFC000  }
0x135: {  	[tilespmem:s28], [sflag:$0x2] =	stream.linear.gather [hbm4b:s20+s6], $0x4000, $0x38;
	[tilespmem:$0x1D880] =	vst v63  }
.Ltmp4:
0x136: {  	_ = 	snop;
	(pc) =	sbr.rel .LBB2_4-.Ltmp4, $4  }
0x137: {  	_ =	swait.ge [sflag:s16], $0x4000  }
0x138: {  	s19 =	sadd.s32 $0x400, s19;
	s23 =	sadd.s32 $0x1000, s23;
	[sflag:s16] =	ssyncset.done $0x0  }
0x139: {  	s24 =	sadd.s32 $0x1000, s24;
	s21 =	sadd.s32 $0x1800, s21;
	[sflag:s16] =	ssyncadd.s32 $0xFFFFC000  }
0x13a: {  	[tilespmem:s29], [sflag:$0x4] =	stream.linear.gather [hbm4b:s21+s6], $0x4000, $0x38;
	[tilespmem:$0x1D880] =	vst v63  }
.LBB2_7:
0x13b: {  	_ =	sfence.sel $0x180000  }
0x13c: {  	[bflag:$0x0] =	sbarrier.arrive $0xFFFF  }
0x13d: {  	_ =	strace $0x90000047  }
0x13e: {  	s0 =	stileid.u32;
	[bflag:$0x2] =	sbarrier.arrive $0xFFFF  }
0x13f: {  	p0 =	sne.s32 s0, $0x0;
	s0 =	rddreg [dreg:$0x9]  }
0x140: {  	s0 =	sadd.s32 @!p0 $0x100000, s0  }
0x141: {  	[sflag:s0] =	ssyncadd.tile.s32 @!p0 $0x1;
	_ =	shalt  }
.Lfunc_end2:
_tile_overlayer_lowered:
.L_overlay_start_2:
0x142: {  	(tag) =	ssettag $0x2  }
0x143: {  	s0 =	rddreg [dreg:$0x0];
	s2 =	stileid.u32  }
0x144: {  	s1 =	rddreg [dreg:$0x1];
	p0 =	sne.s32 s2, $0x0  }
0x145: {  	s3 =	rddreg [dreg:$0x2];
	[bflag:$0x3] =	sbarrier.arrive $0xFFFF;
	s2 =	simm.s32 @!p0 $0x1C09  }
0x146: {  	[timem:s3], [sflag:s2] =	dma.local @!p0 [hbm:s0], s1  }
0x147: {  	s0 =	simm.s32 @!p0 $0x9  }
0x148: {  	_ =	swait.ge @!p0 [sflag:s0], s1  }
0x149: {  	s1 =	ssub.s32 @!p0 $0x0, s1;
	[sflag:s0] =	ssyncset.done @!p0 $0x0  }
0x14a: {  	[sflag:s0] =	ssyncadd.s32 @!p0 s1  }
0x14b: {  	[bflag:$0x3] =	sbarrier.arrive $0xFFFF  }
0x14c: {  	_ =	shalt  }

</sc_bundles>
